<compile_context>
chip_gen: v7x
topology: tpu7x:2x2x1
jax: 0.10.2.dev20260603
libtpu: 0.0.44.dev20260713+nightly
codegen_flags: <defaults>
</compile_context>

<pallas_src>
import functools

import jax
import jax.numpy as jnp
from jax import lax
from jax.experimental import pallas as pl
from jax.experimental.pallas import tpu as pltpu
from jax.experimental.pallas import tpu_sc as plsc

MAXLEN = 200
DIM = 64
LANES = 16
NC, NS = 2, 16
NW = NC * NS
NBUF = 4
ROUNDS = MAXLEN // NBUF
SUB = 8


def _pe_table():
    position = jnp.arange(MAXLEN, dtype=jnp.float32)[:, None]
    div_term = jnp.exp(
        jnp.arange(0, DIM, 2, dtype=jnp.float32) * (-jnp.log(10000.0) / DIM)
    )
    pe = jnp.zeros((MAXLEN, (DIM + 1) // 2 * 2), dtype=jnp.float32)
    pe = pe.at[:, 0::2].set(jnp.sin(position * div_term))
    pe = pe.at[:, 1::2].set(jnp.cos(position * div_term))
    return pe[:, :DIM]


def _make_sc_call(batch):
    bblk = batch // NW
    tt_n = MAXLEN // SUB
    mesh = plsc.VectorSubcoreMesh(core_axis_name="c", subcore_axis_name="s")

    @functools.partial(
        pl.kernel,
        out_type=jax.ShapeDtypeStruct((batch, MAXLEN, DIM), jnp.float32),
        mesh=mesh,
        scratch_types=[
            pltpu.VMEM((tt_n, SUB, bblk), jnp.int32),
            pltpu.VMEM((MAXLEN, DIM), jnp.float32),
            [pltpu.VMEM((bblk, DIM), jnp.float32) for _ in range(NBUF)],
            [pltpu.SemaphoreType.DMA for _ in range(NBUF)],
            [pltpu.SemaphoreType.DMA for _ in range(NBUF)],
        ],
        compiler_params=pltpu.CompilerParams(
            use_tc_tiling_on_sc=False, needs_layout_passes=False
        ),
    )
    def sc_kernel(xt_hbm, w_hbm, pe_hbm, out_hbm, idx_v, pe_v, rows, gsem, ssem):
        wid = lax.axis_index("s") * NC + lax.axis_index("c")
        b0 = wid * bblk
        pltpu.sync_copy(xt_hbm.at[:, wid], idx_v)
        pltpu.sync_copy(pe_hbm, pe_v)

        @pl.loop(0, ROUNDS)
        def _round(g):
            gdesc = []
            for k in range(NBUF):
                t = g * NBUF + k

                @pl.when(g > 0)
                def _():
                    pltpu.make_async_copy(
                        rows[k], out_hbm.at[pl.ds(b0, bblk), 0], ssem[k]
                    ).wait()

                gdesc.append(
                    pltpu.async_copy(
                        w_hbm.at[idx_v.at[lax.div(t, SUB), lax.rem(t, SUB)]],
                        rows[k],
                        gsem[k],
                    )
                )
            for k in range(NBUF):
                t = g * NBUF + k
                gdesc[k].wait()
                pvec = [pe_v[t, pl.ds(j * LANES, LANES)] for j in range(DIM // LANES)]

                @pl.loop(0, bblk, unroll=8)
                def _row(r):
                    for j in range(DIM // LANES):
                        plsc.addupdate(rows[k].at[r, pl.ds(j * LANES, LANES)], pvec[j])

                pltpu.async_copy(
                    rows[k], out_hbm.at[pl.ds(b0, bblk), t], ssem[k]
                )

        for k in range(NBUF):
            pltpu.make_async_copy(
                rows[k], out_hbm.at[pl.ds(b0, bblk), 0], ssem[k]
            ).wait()

    return sc_kernel


def kernel(x, W):
    b, t = x.shape
    pe = _pe_table()
    bblk = b // NW
    xt = x.reshape(NW, bblk, t // SUB, SUB).transpose(2, 0, 3, 1)
    return _make_sc_call(b)(xt, W, pe)

# --- scband reference (transcript-rebuilt; emitter-appended) ---
"""Pipeline reference for scband-position-encoding-76270029243097 (READ-ONLY COPY).

The authoritative reference and input builder live on the scoring server;
editing this copy changes nothing except your own understanding.
"""

import jax, jax.numpy as jnp
import numpy as np

MAXLEN = 200
VOCAB = 1000000
DIM = 64
B = 4096


def _position_encoding():
    position = jnp.arange(MAXLEN, dtype=jnp.float32)[:, None]
    div_term = jnp.exp(jnp.arange(0, DIM, 2, dtype=jnp.float32) * (-jnp.log(10000.0) / DIM))
    pe = jnp.zeros((MAXLEN, (DIM + 1) // 2 * 2), dtype=jnp.float32)
    pe = pe.at[:, 0::2].set(jnp.sin(position * div_term))
    pe = pe.at[:, 1::2].set(jnp.cos(position * div_term))
    return pe[:, :DIM]


def setup_inputs(seed: int = 0) -> dict:
    key = jax.random.key(seed)
    k1, k2 = jax.random.split(key)
    x = jax.random.randint(k1, (B, MAXLEN), 0, VOCAB, dtype=jnp.int32)
    W = jax.random.normal(k2, (VOCAB, DIM), dtype=jnp.float32) * 0.02
    return {"x": x, "W": W}


def reference(x, W):
    # embedding lookup (gather) over the window_embed table
    emb = jnp.take(W, x, axis=0)  # [B, MAXLEN, DIM]
    # add fixed sinusoidal position encoding (broadcast over batch)
    return emb + _position_encoding()[None, :, :]

if __name__ == "__main__":
    import jax
    _d = setup_inputs()
    print(jax.jit(kernel)(*tuple(_d.values())))

</pallas_src>

<mosaic_0001>
#map = affine_map<(d0, d1) -> (0, 0, 0, 0)>
#map1 = affine_map<(d0, d1) -> (0, 0)>
#map2 = affine_map<(d0, d1) -> (0, 0, 0)>
module attributes {stable_mosaic.version = 14 : i64} {
  func.func @sc_kernel(%arg0: i32, %arg1: i32, %arg2: memref<25x32x8x128xi32, #tpu.memory_space<hbm>>, %arg3: memref<1000000x64xf32, #tpu.memory_space<hbm>>, %arg4: memref<200x64xf32, #tpu.memory_space<hbm>>, %arg5: memref<4096x200x64xf32, #tpu.memory_space<hbm>>, %arg6: memref<25x8x128xi32, #tpu.memory_space<vmem>>, %arg7: memref<200x64xf32, #tpu.memory_space<vmem>>, %arg8: memref<128x64xf32, #tpu.memory_space<vmem>>, %arg9: memref<128x64xf32, #tpu.memory_space<vmem>>, %arg10: memref<128x64xf32, #tpu.memory_space<vmem>>, %arg11: memref<128x64xf32, #tpu.memory_space<vmem>>, %arg12: memref<!tpu.dma_semaphore, #tpu.memory_space<semaphore_mem>>, %arg13: memref<!tpu.dma_semaphore, #tpu.memory_space<semaphore_mem>>, %arg14: memref<!tpu.dma_semaphore, #tpu.memory_space<semaphore_mem>>, %arg15: memref<!tpu.dma_semaphore, #tpu.memory_space<semaphore_mem>>, %arg16: memref<!tpu.dma_semaphore, #tpu.memory_space<semaphore_mem>>, %arg17: memref<!tpu.dma_semaphore, #tpu.memory_space<semaphore_mem>>, %arg18: memref<!tpu.dma_semaphore, #tpu.memory_space<semaphore_mem>>, %arg19: memref<!tpu.dma_semaphore, #tpu.memory_space<semaphore_mem>>) attributes {dimension_semantics = [#tpu.dimension_semantics<core_parallel>, #tpu.dimension_semantics<subcore_parallel>], iteration_bounds = array<i64: 2, 16>, scalar_prefetch = 0 : i64, scratch_operands = 14 : i64, tpu.core_type = #tpu.core_type<sc_vector_subcore>, window_params = [{transform_indices = #map}, {transform_indices = #map1}, {transform_indices = #map1}, {transform_indices = #map2}]} {
    %mul3A = arith.constant 2 : i32
    %mul3A_0 = arith.muli %arg1, %mul3A : i32
    %add3A = arith.addi %mul3A_0, %arg0 : i32
    %mul3A_1 = arith.constant 128 : i32
    %mul3A_2 = arith.muli %add3A, %mul3A_1 : i32
    "tpu.region"() ({
      %run_scoped3A = tpu.sem_alloc : memref<!tpu.dma_semaphore, #tpu.memory_space<semaphore_mem>>
      %dma_start3A = arith.constant 0 : i32
      %dma_start3A_34 = arith.constant 0 : i32
      %dma_start3A_35 = arith.constant 0 : i32
      %dma_start3A_36 = tpu.memref_slice %arg2[%dma_start3A, %add3A, %dma_start3A_34, %dma_start3A_35] : memref<25x32x8x128xi32, #tpu.memory_space<hbm>> -> memref<25x1x8x128xi32, #tpu.memory_space<hbm>>
      %dma_start3A_37 = tpu.memref_squeeze %dma_start3A_36 : memref<25x1x8x128xi32, #tpu.memory_space<hbm>> -> memref<25x8x128xi32, #tpu.memory_space<hbm>>
      %dma_start3A_38 = arith.constant 0 : i32
      %dma_start3A_39 = arith.constant 0 : i32
      %dma_start3A_40 = arith.constant 0 : i32
      %dma_start3A_41 = tpu.memref_slice %arg2[%dma_start3A_38, %add3A, %dma_start3A_39, %dma_start3A_40] : memref<25x32x8x128xi32, #tpu.memory_space<hbm>> -> memref<25x1x8x128xi32, #tpu.memory_space<hbm>>
      %dma_start3A_42 = tpu.memref_squeeze %dma_start3A_41 : memref<25x1x8x128xi32, #tpu.memory_space<hbm>> -> memref<25x8x128xi32, #tpu.memory_space<hbm>>
      tpu.enqueue_dma source(%dma_start3A_42 : memref<25x8x128xi32, #tpu.memory_space<hbm>>) target(%arg6 : memref<25x8x128xi32, #tpu.memory_space<vmem>>) target_semaphore(%run_scoped3A : memref<!tpu.dma_semaphore, #tpu.memory_space<semaphore_mem>>)
      %dma_wait3A_43 = arith.constant 0 : i32
      %dma_wait3A_44 = arith.constant 0 : i32
      %dma_wait3A_45 = arith.constant 0 : i32
      %dma_wait3A_46 = tpu.memref_slice %arg2[%dma_wait3A_43, %add3A, %dma_wait3A_44, %dma_wait3A_45] : memref<25x32x8x128xi32, #tpu.memory_space<hbm>> -> memref<25x1x8x128xi32, #tpu.memory_space<hbm>>
      %dma_wait3A_47 = tpu.memref_squeeze %dma_wait3A_46 : memref<25x1x8x128xi32, #tpu.memory_space<hbm>> -> memref<25x8x128xi32, #tpu.memory_space<hbm>>
      %dma_wait3A_48 = arith.constant 0 : i32
      %dma_wait3A_49 = arith.constant 0 : i32
      %dma_wait3A_50 = arith.constant 0 : i32
      %dma_wait3A_51 = tpu.memref_slice %arg2[%dma_wait3A_48, %add3A, %dma_wait3A_49, %dma_wait3A_50] : memref<25x32x8x128xi32, #tpu.memory_space<hbm>> -> memref<25x1x8x128xi32, #tpu.memory_space<hbm>>
      %dma_wait3A_52 = tpu.memref_squeeze %dma_wait3A_51 : memref<25x1x8x128xi32, #tpu.memory_space<hbm>> -> memref<25x8x128xi32, #tpu.memory_space<hbm>>
      tpu.wait_dma2 semaphore(%run_scoped3A : memref<!tpu.dma_semaphore, #tpu.memory_space<semaphore_mem>>) src(%dma_wait3A_52 : memref<25x8x128xi32, #tpu.memory_space<hbm>>) dst(%arg6 : memref<25x8x128xi32, #tpu.memory_space<vmem>>)
      tpu.yield
    }) : () -> ()
    "tpu.region"() ({
      %run_scoped3A = tpu.sem_alloc : memref<!tpu.dma_semaphore, #tpu.memory_space<semaphore_mem>>
      tpu.enqueue_dma source(%arg4 : memref<200x64xf32, #tpu.memory_space<hbm>>) target(%arg7 : memref<200x64xf32, #tpu.memory_space<vmem>>) target_semaphore(%run_scoped3A : memref<!tpu.dma_semaphore, #tpu.memory_space<semaphore_mem>>)
      tpu.wait_dma2 semaphore(%run_scoped3A : memref<!tpu.dma_semaphore, #tpu.memory_space<semaphore_mem>>) src(%arg4 : memref<200x64xf32, #tpu.memory_space<hbm>>) dst(%arg7 : memref<200x64xf32, #tpu.memory_space<vmem>>)
      tpu.yield
    }) : () -> ()
    %scan3A = arith.constant 0 : i32
    %scan3A_3 = arith.constant 50 : i32
    %scan3A_4 = arith.addi %scan3A, %scan3A_3 : i32
    %scan3A_5 = arith.constant 1 : i32
    scf.for %scan3A_34 = %scan3A to %scan3A_4 step %scan3A_5  : i32 {
      %mul3A_35 = arith.constant 1 : i32
      %mul3A_36 = arith.muli %scan3A_34, %mul3A_35 : i32
      %add3A_37 = arith.constant 0 : i32
      %add3A_38 = arith.addi %add3A_37, %mul3A_36 : i32
      %mul3A_39 = arith.constant 4 : i32
      %mul3A_40 = arith.muli %add3A_38, %mul3A_39 : i32
      %add3A_41 = arith.constant 0 : i32
      %add3A_42 = arith.addi %mul3A_40, %add3A_41 : i32
      %gt3A = arith.constant 0 : i32
      %gt3A_43 = arith.cmpi sgt, %add3A_38, %gt3A : i32
      %convert_element_type3A = arith.extui %gt3A_43 : i1 to i32
      %cond3A = arith.constant 0 : i32
      %cond3A_44 = arith.cmpi ne, %convert_element_type3A, %cond3A : i32
      scf.if %cond3A_44 {
        %dma_wait3A_240 = arith.constant 0 : i32
        %dma_wait3A_241 = arith.constant 0 : i32
        %dma_wait3A_242 = tpu.memref_slice %arg5[%mul3A_2, %dma_wait3A_240, %dma_wait3A_241] : memref<4096x200x64xf32, #tpu.memory_space<hbm>> -> memref<128x1x64xf32, #tpu.memory_space<hbm>>
        %dma_wait3A_243 = tpu.memref_squeeze %dma_wait3A_242 : memref<128x1x64xf32, #tpu.memory_space<hbm>> -> memref<128x64xf32, #tpu.memory_space<hbm>>
        %dma_wait3A_244 = arith.constant 0 : i32
        %dma_wait3A_245 = tpu.memref_slice %arg5[%mul3A_2, %dma_wait3A_240, %dma_wait3A_244] : memref<4096x200x64xf32, #tpu.memory_space<hbm>> -> memref<128x1x64xf32, #tpu.memory_space<hbm>>
        %dma_wait3A_246 = tpu.memref_squeeze %dma_wait3A_245 : memref<128x1x64xf32, #tpu.memory_space<hbm>> -> memref<128x64xf32, #tpu.memory_space<hbm>>
        tpu.wait_dma2 semaphore(%arg16 : memref<!tpu.dma_semaphore, #tpu.memory_space<semaphore_mem>>) src(%arg8 : memref<128x64xf32, #tpu.memory_space<vmem>>) dst(%dma_wait3A_246 : memref<128x64xf32, #tpu.memory_space<hbm>>)
      } else {
      }
      %div3A = arith.constant 8 : i32
      %div3A_45 = arith.divsi %add3A_42, %div3A : i32
      %rem3A = arith.constant 8 : i32
      %rem3A_46 = arith.remsi %add3A_42, %rem3A : i32
      %dma_start3A = arith.constant 0 : i32
      %dma_start3A_47 = tpu.memref_slice %arg6[%div3A_45, %rem3A_46, %dma_start3A] : memref<25x8x128xi32, #tpu.memory_space<vmem>> -> memref<1x1x128xi32, #tpu.memory_space<vmem>>
      %dma_start3A_48 = tpu.memref_squeeze %dma_start3A_47 : memref<1x1x128xi32, #tpu.memory_space<vmem>> -> memref<128xi32, #tpu.memory_space<vmem>>
      %dma_start3A_49 = arith.constant 0 : i32
      %dma_start3A_50 = arith.constant 0 : i32
      %dma_start3A_51 = tpu.memref_slice %arg3[%dma_start3A_49, %dma_start3A_50] : memref<1000000x64xf32, #tpu.memory_space<hbm>> -> memref<1000000x64xf32, #tpu.memory_space<hbm>>
      tpu.enqueue_indirect_dma source(%dma_start3A_51 : memref<1000000x64xf32, #tpu.memory_space<hbm>>) target(%arg8 : memref<128x64xf32, #tpu.memory_space<vmem>>) offsets(%dma_start3A_48 : memref<128xi32, #tpu.memory_space<vmem>>) semaphore(%arg12 : memref<!tpu.dma_semaphore, #tpu.memory_space<semaphore_mem>>)
      %mul3A_52 = arith.constant 4 : i32
      %mul3A_53 = arith.muli %add3A_38, %mul3A_52 : i32
      %add3A_54 = arith.constant 1 : i32
      %add3A_55 = arith.addi %mul3A_53, %add3A_54 : i32
      %gt3A_56 = arith.constant 0 : i32
      %gt3A_57 = arith.cmpi sgt, %add3A_38, %gt3A_56 : i32
      %convert_element_type3A_58 = arith.extui %gt3A_57 : i1 to i32
      %cond3A_59 = arith.constant 0 : i32
      %cond3A_60 = arith.cmpi ne, %convert_element_type3A_58, %cond3A_59 : i32
      scf.if %cond3A_60 {
        %dma_wait3A_240 = arith.constant 0 : i32
        %dma_wait3A_241 = arith.constant 0 : i32
        %dma_wait3A_242 = tpu.memref_slice %arg5[%mul3A_2, %dma_wait3A_240, %dma_wait3A_241] : memref<4096x200x64xf32, #tpu.memory_space<hbm>> -> memref<128x1x64xf32, #tpu.memory_space<hbm>>
        %dma_wait3A_243 = tpu.memref_squeeze %dma_wait3A_242 : memref<128x1x64xf32, #tpu.memory_space<hbm>> -> memref<128x64xf32, #tpu.memory_space<hbm>>
        %dma_wait3A_244 = arith.constant 0 : i32
        %dma_wait3A_245 = tpu.memref_slice %arg5[%mul3A_2, %dma_wait3A_240, %dma_wait3A_244] : memref<4096x200x64xf32, #tpu.memory_space<hbm>> -> memref<128x1x64xf32, #tpu.memory_space<hbm>>
        %dma_wait3A_246 = tpu.memref_squeeze %dma_wait3A_245 : memref<128x1x64xf32, #tpu.memory_space<hbm>> -> memref<128x64xf32, #tpu.memory_space<hbm>>
        tpu.wait_dma2 semaphore(%arg17 : memref<!tpu.dma_semaphore, #tpu.memory_space<semaphore_mem>>) src(%arg9 : memref<128x64xf32, #tpu.memory_space<vmem>>) dst(%dma_wait3A_246 : memref<128x64xf32, #tpu.memory_space<hbm>>)
      } else {
      }
      %div3A_61 = arith.constant 8 : i32
      %div3A_62 = arith.divsi %add3A_55, %div3A_61 : i32
      %rem3A_63 = arith.constant 8 : i32
      %rem3A_64 = arith.remsi %add3A_55, %rem3A_63 : i32
      %dma_start3A_65 = arith.constant 0 : i32
      %dma_start3A_66 = tpu.memref_slice %arg6[%div3A_62, %rem3A_64, %dma_start3A_65] : memref<25x8x128xi32, #tpu.memory_space<vmem>> -> memref<1x1x128xi32, #tpu.memory_space<vmem>>
      %dma_start3A_67 = tpu.memref_squeeze %dma_start3A_66 : memref<1x1x128xi32, #tpu.memory_space<vmem>> -> memref<128xi32, #tpu.memory_space<vmem>>
      %dma_start3A_68 = arith.constant 0 : i32
      %dma_start3A_69 = arith.constant 0 : i32
      %dma_start3A_70 = tpu.memref_slice %arg3[%dma_start3A_68, %dma_start3A_69] : memref<1000000x64xf32, #tpu.memory_space<hbm>> -> memref<1000000x64xf32, #tpu.memory_space<hbm>>
      tpu.enqueue_indirect_dma source(%dma_start3A_70 : memref<1000000x64xf32, #tpu.memory_space<hbm>>) target(%arg9 : memref<128x64xf32, #tpu.memory_space<vmem>>) offsets(%dma_start3A_67 : memref<128xi32, #tpu.memory_space<vmem>>) semaphore(%arg13 : memref<!tpu.dma_semaphore, #tpu.memory_space<semaphore_mem>>)
      %mul3A_71 = arith.constant 4 : i32
      %mul3A_72 = arith.muli %add3A_38, %mul3A_71 : i32
      %add3A_73 = arith.constant 2 : i32
      %add3A_74 = arith.addi %mul3A_72, %add3A_73 : i32
      %gt3A_75 = arith.constant 0 : i32
      %gt3A_76 = arith.cmpi sgt, %add3A_38, %gt3A_75 : i32
      %convert_element_type3A_77 = arith.extui %gt3A_76 : i1 to i32
      %cond3A_78 = arith.constant 0 : i32
      %cond3A_79 = arith.cmpi ne, %convert_element_type3A_77, %cond3A_78 : i32
      scf.if %cond3A_79 {
        %dma_wait3A_240 = arith.constant 0 : i32
        %dma_wait3A_241 = arith.constant 0 : i32
        %dma_wait3A_242 = tpu.memref_slice %arg5[%mul3A_2, %dma_wait3A_240, %dma_wait3A_241] : memref<4096x200x64xf32, #tpu.memory_space<hbm>> -> memref<128x1x64xf32, #tpu.memory_space<hbm>>
        %dma_wait3A_243 = tpu.memref_squeeze %dma_wait3A_242 : memref<128x1x64xf32, #tpu.memory_space<hbm>> -> memref<128x64xf32, #tpu.memory_space<hbm>>
        %dma_wait3A_244 = arith.constant 0 : i32
        %dma_wait3A_245 = tpu.memref_slice %arg5[%mul3A_2, %dma_wait3A_240, %dma_wait3A_244] : memref<4096x200x64xf32, #tpu.memory_space<hbm>> -> memref<128x1x64xf32, #tpu.memory_space<hbm>>
        %dma_wait3A_246 = tpu.memref_squeeze %dma_wait3A_245 : memref<128x1x64xf32, #tpu.memory_space<hbm>> -> memref<128x64xf32, #tpu.memory_space<hbm>>
        tpu.wait_dma2 semaphore(%arg18 : memref<!tpu.dma_semaphore, #tpu.memory_space<semaphore_mem>>) src(%arg10 : memref<128x64xf32, #tpu.memory_space<vmem>>) dst(%dma_wait3A_246 : memref<128x64xf32, #tpu.memory_space<hbm>>)
      } else {
      }
      %div3A_80 = arith.constant 8 : i32
      %div3A_81 = arith.divsi %add3A_74, %div3A_80 : i32
      %rem3A_82 = arith.constant 8 : i32
      %rem3A_83 = arith.remsi %add3A_74, %rem3A_82 : i32
      %dma_start3A_84 = arith.constant 0 : i32
      %dma_start3A_85 = tpu.memref_slice %arg6[%div3A_81, %rem3A_83, %dma_start3A_84] : memref<25x8x128xi32, #tpu.memory_space<vmem>> -> memref<1x1x128xi32, #tpu.memory_space<vmem>>
      %dma_start3A_86 = tpu.memref_squeeze %dma_start3A_85 : memref<1x1x128xi32, #tpu.memory_space<vmem>> -> memref<128xi32, #tpu.memory_space<vmem>>
      %dma_start3A_87 = arith.constant 0 : i32
      %dma_start3A_88 = arith.constant 0 : i32
      %dma_start3A_89 = tpu.memref_slice %arg3[%dma_start3A_87, %dma_start3A_88] : memref<1000000x64xf32, #tpu.memory_space<hbm>> -> memref<1000000x64xf32, #tpu.memory_space<hbm>>
      tpu.enqueue_indirect_dma source(%dma_start3A_89 : memref<1000000x64xf32, #tpu.memory_space<hbm>>) target(%arg10 : memref<128x64xf32, #tpu.memory_space<vmem>>) offsets(%dma_start3A_86 : memref<128xi32, #tpu.memory_space<vmem>>) semaphore(%arg14 : memref<!tpu.dma_semaphore, #tpu.memory_space<semaphore_mem>>)
      %mul3A_90 = arith.constant 4 : i32
      %mul3A_91 = arith.muli %add3A_38, %mul3A_90 : i32
      %add3A_92 = arith.constant 3 : i32
      %add3A_93 = arith.addi %mul3A_91, %add3A_92 : i32
      %gt3A_94 = arith.constant 0 : i32
      %gt3A_95 = arith.cmpi sgt, %add3A_38, %gt3A_94 : i32
      %convert_element_type3A_96 = arith.extui %gt3A_95 : i1 to i32
      %cond3A_97 = arith.constant 0 : i32
      %cond3A_98 = arith.cmpi ne, %convert_element_type3A_96, %cond3A_97 : i32
      scf.if %cond3A_98 {
        %dma_wait3A_240 = arith.constant 0 : i32
        %dma_wait3A_241 = arith.constant 0 : i32
        %dma_wait3A_242 = tpu.memref_slice %arg5[%mul3A_2, %dma_wait3A_240, %dma_wait3A_241] : memref<4096x200x64xf32, #tpu.memory_space<hbm>> -> memref<128x1x64xf32, #tpu.memory_space<hbm>>
        %dma_wait3A_243 = tpu.memref_squeeze %dma_wait3A_242 : memref<128x1x64xf32, #tpu.memory_space<hbm>> -> memref<128x64xf32, #tpu.memory_space<hbm>>
        %dma_wait3A_244 = arith.constant 0 : i32
        %dma_wait3A_245 = tpu.memref_slice %arg5[%mul3A_2, %dma_wait3A_240, %dma_wait3A_244] : memref<4096x200x64xf32, #tpu.memory_space<hbm>> -> memref<128x1x64xf32, #tpu.memory_space<hbm>>
        %dma_wait3A_246 = tpu.memref_squeeze %dma_wait3A_245 : memref<128x1x64xf32, #tpu.memory_space<hbm>> -> memref<128x64xf32, #tpu.memory_space<hbm>>
        tpu.wait_dma2 semaphore(%arg19 : memref<!tpu.dma_semaphore, #tpu.memory_space<semaphore_mem>>) src(%arg11 : memref<128x64xf32, #tpu.memory_space<vmem>>) dst(%dma_wait3A_246 : memref<128x64xf32, #tpu.memory_space<hbm>>)
      } else {
      }
      %div3A_99 = arith.constant 8 : i32
      %div3A_100 = arith.divsi %add3A_93, %div3A_99 : i32
      %rem3A_101 = arith.constant 8 : i32
      %rem3A_102 = arith.remsi %add3A_93, %rem3A_101 : i32
      %dma_start3A_103 = arith.constant 0 : i32
      %dma_start3A_104 = tpu.memref_slice %arg6[%div3A_100, %rem3A_102, %dma_start3A_103] : memref<25x8x128xi32, #tpu.memory_space<vmem>> -> memref<1x1x128xi32, #tpu.memory_space<vmem>>
      %dma_start3A_105 = tpu.memref_squeeze %dma_start3A_104 : memref<1x1x128xi32, #tpu.memory_space<vmem>> -> memref<128xi32, #tpu.memory_space<vmem>>
      %dma_start3A_106 = arith.constant 0 : i32
      %dma_start3A_107 = arith.constant 0 : i32
      %dma_start3A_108 = tpu.memref_slice %arg3[%dma_start3A_106, %dma_start3A_107] : memref<1000000x64xf32, #tpu.memory_space<hbm>> -> memref<1000000x64xf32, #tpu.memory_space<hbm>>
      tpu.enqueue_indirect_dma source(%dma_start3A_108 : memref<1000000x64xf32, #tpu.memory_space<hbm>>) target(%arg11 : memref<128x64xf32, #tpu.memory_space<vmem>>) offsets(%dma_start3A_105 : memref<128xi32, #tpu.memory_space<vmem>>) semaphore(%arg15 : memref<!tpu.dma_semaphore, #tpu.memory_space<semaphore_mem>>)
      %mul3A_109 = arith.constant 4 : i32
      %mul3A_110 = arith.muli %add3A_38, %mul3A_109 : i32
      %add3A_111 = arith.constant 0 : i32
      %add3A_112 = arith.addi %mul3A_110, %add3A_111 : i32
      %dma_wait3A_113 = arith.constant 0 : i32
      %dma_wait3A_114 = tpu.memref_slice %arg6[%div3A_45, %rem3A_46, %dma_wait3A_113] : memref<25x8x128xi32, #tpu.memory_space<vmem>> -> memref<1x1x128xi32, #tpu.memory_space<vmem>>
      %dma_wait3A_115 = tpu.memref_squeeze %dma_wait3A_114 : memref<1x1x128xi32, #tpu.memory_space<vmem>> -> memref<128xi32, #tpu.memory_space<vmem>>
      %dma_wait3A_116 = arith.constant 0 : i32
      %dma_wait3A_117 = arith.constant 0 : i32
      %dma_wait3A_118 = tpu.memref_slice %arg3[%dma_wait3A_116, %dma_wait3A_117] : memref<1000000x64xf32, #tpu.memory_space<hbm>> -> memref<1000000x64xf32, #tpu.memory_space<hbm>>
      tpu.wait_indirect_dma semaphore(%arg12 : memref<!tpu.dma_semaphore, #tpu.memory_space<semaphore_mem>>) src(%dma_wait3A_118 : memref<1000000x64xf32, #tpu.memory_space<hbm>>) dst(%arg8 : memref<128x64xf32, #tpu.memory_space<vmem>>)
      %get3A = arith.index_cast %add3A_112 : i32 to index
      %get3A_119 = arith.constant 0 : index
      %get3A_120 = tpu.vector_load %arg7[%get3A, %get3A_119] {strides = array<i32>} : memref<200x64xf32, #tpu.memory_space<vmem>>, vector<16xf32>,
      %get3A_121 = arith.index_cast %add3A_112 : i32 to index
      %get3A_122 = arith.constant 16 : index
      %get3A_123 = tpu.vector_load %arg7[%get3A_121, %get3A_122] {strides = array<i32>} : memref<200x64xf32, #tpu.memory_space<vmem>>, vector<16xf32>,
      %get3A_124 = arith.index_cast %add3A_112 : i32 to index
      %get3A_125 = arith.constant 32 : index
      %get3A_126 = tpu.vector_load %arg7[%get3A_124, %get3A_125] {strides = array<i32>} : memref<200x64xf32, #tpu.memory_space<vmem>>, vector<16xf32>,
      %get3A_127 = arith.index_cast %add3A_112 : i32 to index
      %get3A_128 = arith.constant 48 : index
      %get3A_129 = tpu.vector_load %arg7[%get3A_127, %get3A_128] {strides = array<i32>} : memref<200x64xf32, #tpu.memory_space<vmem>>, vector<16xf32>,
      %scan3A_130 = arith.constant 0 : i32
      %scan3A_131 = arith.constant 128 : i32
      %scan3A_132 = arith.addi %scan3A_130, %scan3A_131 : i32
      %scan3A_133 = arith.constant 8 : i32
      scf.for %scan3A_240 = %scan3A_130 to %scan3A_132 step %scan3A_133  : i32 {
        %mul3A_241 = arith.constant 1 : i32
        %mul3A_242 = arith.muli %scan3A_240, %mul3A_241 : i32
        %add3A_243 = arith.constant 0 : i32
        %add3A_244 = arith.addi %add3A_243, %mul3A_242 : i32
        %swap3A = arith.index_cast %add3A_244 : i32 to index
        %swap3A_245 = arith.constant 0 : index
        %swap3A_246 = tpu.vector_load %arg8[%swap3A, %swap3A_245] {strides = array<i32>} : memref<128x64xf32, #tpu.memory_space<vmem>>, vector<16xf32>,
        tpu.vector_store %arg8[%swap3A, %swap3A_245], %get3A_120 {add = true, strides = array<i32>} : memref<128x64xf32, #tpu.memory_space<vmem>>, vector<16xf32>,
        %swap3A_247 = arith.index_cast %add3A_244 : i32 to index
        %swap3A_248 = arith.constant 16 : index
        %swap3A_249 = tpu.vector_load %arg8[%swap3A_247, %swap3A_248] {strides = array<i32>} : memref<128x64xf32, #tpu.memory_space<vmem>>, vector<16xf32>,
        tpu.vector_store %arg8[%swap3A_247, %swap3A_248], %get3A_123 {add = true, strides = array<i32>} : memref<128x64xf32, #tpu.memory_space<vmem>>, vector<16xf32>,
        %swap3A_250 = arith.index_cast %add3A_244 : i32 to index
        %swap3A_251 = arith.constant 32 : index
        %swap3A_252 = tpu.vector_load %arg8[%swap3A_250, %swap3A_251] {strides = array<i32>} : memref<128x64xf32, #tpu.memory_space<vmem>>, vector<16xf32>,
        tpu.vector_store %arg8[%swap3A_250, %swap3A_251], %get3A_126 {add = true, strides = array<i32>} : memref<128x64xf32, #tpu.memory_space<vmem>>, vector<16xf32>,
        %swap3A_253 = arith.index_cast %add3A_244 : i32 to index
        %swap3A_254 = arith.constant 48 : index
        %swap3A_255 = tpu.vector_load %arg8[%swap3A_253, %swap3A_254] {strides = array<i32>} : memref<128x64xf32, #tpu.memory_space<vmem>>, vector<16xf32>,
        tpu.vector_store %arg8[%swap3A_253, %swap3A_254], %get3A_129 {add = true, strides = array<i32>} : memref<128x64xf32, #tpu.memory_space<vmem>>, vector<16xf32>,
        %scan3A_256 = arith.constant 1 : i32
        %scan3A_257 = arith.addi %scan3A_240, %scan3A_256 : i32
        %mul3A_258 = arith.constant 1 : i32
        %mul3A_259 = arith.muli %scan3A_257, %mul3A_258 : i32
        %add3A_260 = arith.constant 0 : i32
        %add3A_261 = arith.addi %add3A_260, %mul3A_259 : i32
        %swap3A_262 = arith.index_cast %add3A_261 : i32 to index
        %swap3A_263 = arith.constant 0 : index
        %swap3A_264 = tpu.vector_load %arg8[%swap3A_262, %swap3A_263] {strides = array<i32>} : memref<128x64xf32, #tpu.memory_space<vmem>>, vector<16xf32>,
        tpu.vector_store %arg8[%swap3A_262, %swap3A_263], %get3A_120 {add = true, strides = array<i32>} : memref<128x64xf32, #tpu.memory_space<vmem>>, vector<16xf32>,
        %swap3A_265 = arith.index_cast %add3A_261 : i32 to index
        %swap3A_266 = arith.constant 16 : index
        %swap3A_267 = tpu.vector_load %arg8[%swap3A_265, %swap3A_266] {strides = array<i32>} : memref<128x64xf32, #tpu.memory_space<vmem>>, vector<16xf32>,
        tpu.vector_store %arg8[%swap3A_265, %swap3A_266], %get3A_123 {add = true, strides = array<i32>} : memref<128x64xf32, #tpu.memory_space<vmem>>, vector<16xf32>,
        %swap3A_268 = arith.index_cast %add3A_261 : i32 to index
        %swap3A_269 = arith.constant 32 : index
        %swap3A_270 = tpu.vector_load %arg8[%swap3A_268, %swap3A_269] {strides = array<i32>} : memref<128x64xf32, #tpu.memory_space<vmem>>, vector<16xf32>,
        tpu.vector_store %arg8[%swap3A_268, %swap3A_269], %get3A_126 {add = true, strides = array<i32>} : memref<128x64xf32, #tpu.memory_space<vmem>>, vector<16xf32>,
        %swap3A_271 = arith.index_cast %add3A_261 : i32 to index
        %swap3A_272 = arith.constant 48 : index
        %swap3A_273 = tpu.vector_load %arg8[%swap3A_271, %swap3A_272] {strides = array<i32>} : memref<128x64xf32, #tpu.memory_space<vmem>>, vector<16xf32>,
        tpu.vector_store %arg8[%swap3A_271, %swap3A_272], %get3A_129 {add = true, strides = array<i32>} : memref<128x64xf32, #tpu.memory_space<vmem>>, vector<16xf32>,
        %scan3A_274 = arith.constant 2 : i32
        %scan3A_275 = arith.addi %scan3A_240, %scan3A_274 : i32
        %mul3A_276 = arith.constant 1 : i32
        %mul3A_277 = arith.muli %scan3A_275, %mul3A_276 : i32
        %add3A_278 = arith.constant 0 : i32
        %add3A_279 = arith.addi %add3A_278, %mul3A_277 : i32
        %swap3A_280 = arith.index_cast %add3A_279 : i32 to index
        %swap3A_281 = arith.constant 0 : index
        %swap3A_282 = tpu.vector_load %arg8[%swap3A_280, %swap3A_281] {strides = array<i32>} : memref<128x64xf32, #tpu.memory_space<vmem>>, vector<16xf32>,
        tpu.vector_store %arg8[%swap3A_280, %swap3A_281], %get3A_120 {add = true, strides = array<i32>} : memref<128x64xf32, #tpu.memory_space<vmem>>, vector<16xf32>,
        %swap3A_283 = arith.index_cast %add3A_279 : i32 to index
        %swap3A_284 = arith.constant 16 : index
        %swap3A_285 = tpu.vector_load %arg8[%swap3A_283, %swap3A_284] {strides = array<i32>} : memref<128x64xf32, #tpu.memory_space<vmem>>, vector<16xf32>,
        tpu.vector_store %arg8[%swap3A_283, %swap3A_284], %get3A_123 {add = true, strides = array<i32>} : memref<128x64xf32, #tpu.memory_space<vmem>>, vector<16xf32>,
        %swap3A_286 = arith.index_cast %add3A_279 : i32 to index
        %swap3A_287 = arith.constant 32 : index
        %swap3A_288 = tpu.vector_load %arg8[%swap3A_286, %swap3A_287] {strides = array<i32>} : memref<128x64xf32, #tpu.memory_space<vmem>>, vector<16xf32>,
        tpu.vector_store %arg8[%swap3A_286, %swap3A_287], %get3A_126 {add = true, strides = array<i32>} : memref<128x64xf32, #tpu.memory_space<vmem>>, vector<16xf32>,
        %swap3A_289 = arith.index_cast %add3A_279 : i32 to index
        %swap3A_290 = arith.constant 48 : index
        %swap3A_291 = tpu.vector_load %arg8[%swap3A_289, %swap3A_290] {strides = array<i32>} : memref<128x64xf32, #tpu.memory_space<vmem>>, vector<16xf32>,
        tpu.vector_store %arg8[%swap3A_289, %swap3A_290], %get3A_129 {add = true, strides = array<i32>} : memref<128x64xf32, #tpu.memory_space<vmem>>, vector<16xf32>,
        %scan3A_292 = arith.constant 3 : i32
        %scan3A_293 = arith.addi %scan3A_240, %scan3A_292 : i32
        %mul3A_294 = arith.constant 1 : i32
        %mul3A_295 = arith.muli %scan3A_293, %mul3A_294 : i32
        %add3A_296 = arith.constant 0 : i32
        %add3A_297 = arith.addi %add3A_296, %mul3A_295 : i32
        %swap3A_298 = arith.index_cast %add3A_297 : i32 to index
        %swap3A_299 = arith.constant 0 : index
        %swap3A_300 = tpu.vector_load %arg8[%swap3A_298, %swap3A_299] {strides = array<i32>} : memref<128x64xf32, #tpu.memory_space<vmem>>, vector<16xf32>,
        tpu.vector_store %arg8[%swap3A_298, %swap3A_299], %get3A_120 {add = true, strides = array<i32>} : memref<128x64xf32, #tpu.memory_space<vmem>>, vector<16xf32>,
        %swap3A_301 = arith.index_cast %add3A_297 : i32 to index
        %swap3A_302 = arith.constant 16 : index
        %swap3A_303 = tpu.vector_load %arg8[%swap3A_301, %swap3A_302] {strides = array<i32>} : memref<128x64xf32, #tpu.memory_space<vmem>>, vector<16xf32>,
        tpu.vector_store %arg8[%swap3A_301, %swap3A_302], %get3A_123 {add = true, strides = array<i32>} : memref<128x64xf32, #tpu.memory_space<vmem>>, vector<16xf32>,
        %swap3A_304 = arith.index_cast %add3A_297 : i32 to index
        %swap3A_305 = arith.constant 32 : index
        %swap3A_306 = tpu.vector_load %arg8[%swap3A_304, %swap3A_305] {strides = array<i32>} : memref<128x64xf32, #tpu.memory_space<vmem>>, vector<16xf32>,
        tpu.vector_store %arg8[%swap3A_304, %swap3A_305], %get3A_126 {add = true, strides = array<i32>} : memref<128x64xf32, #tpu.memory_space<vmem>>, vector<16xf32>,
        %swap3A_307 = arith.index_cast %add3A_297 : i32 to index
        %swap3A_308 = arith.constant 48 : index
        %swap3A_309 = tpu.vector_load %arg8[%swap3A_307, %swap3A_308] {strides = array<i32>} : memref<128x64xf32, #tpu.memory_space<vmem>>, vector<16xf32>,
        tpu.vector_store %arg8[%swap3A_307, %swap3A_308], %get3A_129 {add = true, strides = array<i32>} : memref<128x64xf32, #tpu.memory_space<vmem>>, vector<16xf32>,
        %scan3A_310 = arith.constant 4 : i32
        %scan3A_311 = arith.addi %scan3A_240, %scan3A_310 : i32
        %mul3A_312 = arith.constant 1 : i32
        %mul3A_313 = arith.muli %scan3A_311, %mul3A_312 : i32
        %add3A_314 = arith.constant 0 : i32
        %add3A_315 = arith.addi %add3A_314, %mul3A_313 : i32
        %swap3A_316 = arith.index_cast %add3A_315 : i32 to index
        %swap3A_317 = arith.constant 0 : index
        %swap3A_318 = tpu.vector_load %arg8[%swap3A_316, %swap3A_317] {strides = array<i32>} : memref<128x64xf32, #tpu.memory_space<vmem>>, vector<16xf32>,
        tpu.vector_store %arg8[%swap3A_316, %swap3A_317], %get3A_120 {add = true, strides = array<i32>} : memref<128x64xf32, #tpu.memory_space<vmem>>, vector<16xf32>,
        %swap3A_319 = arith.index_cast %add3A_315 : i32 to index
        %swap3A_320 = arith.constant 16 : index
        %swap3A_321 = tpu.vector_load %arg8[%swap3A_319, %swap3A_320] {strides = array<i32>} : memref<128x64xf32, #tpu.memory_space<vmem>>, vector<16xf32>,
        tpu.vector_store %arg8[%swap3A_319, %swap3A_320], %get3A_123 {add = true, strides = array<i32>} : memref<128x64xf32, #tpu.memory_space<vmem>>, vector<16xf32>,
        %swap3A_322 = arith.index_cast %add3A_315 : i32 to index
        %swap3A_323 = arith.constant 32 : index
        %swap3A_324 = tpu.vector_load %arg8[%swap3A_322, %swap3A_323] {strides = array<i32>} : memref<128x64xf32, #tpu.memory_space<vmem>>, vector<16xf32>,
        tpu.vector_store %arg8[%swap3A_322, %swap3A_323], %get3A_126 {add = true, strides = array<i32>} : memref<128x64xf32, #tpu.memory_space<vmem>>, vector<16xf32>,
        %swap3A_325 = arith.index_cast %add3A_315 : i32 to index
        %swap3A_326 = arith.constant 48 : index
        %swap3A_327 = tpu.vector_load %arg8[%swap3A_325, %swap3A_326] {strides = array<i32>} : memref<128x64xf32, #tpu.memory_space<vmem>>, vector<16xf32>,
        tpu.vector_store %arg8[%swap3A_325, %swap3A_326], %get3A_129 {add = true, strides = array<i32>} : memref<128x64xf32, #tpu.memory_space<vmem>>, vector<16xf32>,
        %scan3A_328 = arith.constant 5 : i32
        %scan3A_329 = arith.addi %scan3A_240, %scan3A_328 : i32
        %mul3A_330 = arith.constant 1 : i32
        %mul3A_331 = arith.muli %scan3A_329, %mul3A_330 : i32
        %add3A_332 = arith.constant 0 : i32
        %add3A_333 = arith.addi %add3A_332, %mul3A_331 : i32
        %swap3A_334 = arith.index_cast %add3A_333 : i32 to index
        %swap3A_335 = arith.constant 0 : index
        %swap3A_336 = tpu.vector_load %arg8[%swap3A_334, %swap3A_335] {strides = array<i32>} : memref<128x64xf32, #tpu.memory_space<vmem>>, vector<16xf32>,
        tpu.vector_store %arg8[%swap3A_334, %swap3A_335], %get3A_120 {add = true, strides = array<i32>} : memref<128x64xf32, #tpu.memory_space<vmem>>, vector<16xf32>,
        %swap3A_337 = arith.index_cast %add3A_333 : i32 to index
        %swap3A_338 = arith.constant 16 : index
        %swap3A_339 = tpu.vector_load %arg8[%swap3A_337, %swap3A_338] {strides = array<i32>} : memref<128x64xf32, #tpu.memory_space<vmem>>, vector<16xf32>,
        tpu.vector_store %arg8[%swap3A_337, %swap3A_338], %get3A_123 {add = true, strides = array<i32>} : memref<128x64xf32, #tpu.memory_space<vmem>>, vector<16xf32>,
        %swap3A_340 = arith.index_cast %add3A_333 : i32 to index
        %swap3A_341 = arith.constant 32 : index
        %swap3A_342 = tpu.vector_load %arg8[%swap3A_340, %swap3A_341] {strides = array<i32>} : memref<128x64xf32, #tpu.memory_space<vmem>>, vector<16xf32>,
        tpu.vector_store %arg8[%swap3A_340, %swap3A_341], %get3A_126 {add = true, strides = array<i32>} : memref<128x64xf32, #tpu.memory_space<vmem>>, vector<16xf32>,
        %swap3A_343 = arith.index_cast %add3A_333 : i32 to index
        %swap3A_344 = arith.constant 48 : index
        %swap3A_345 = tpu.vector_load %arg8[%swap3A_343, %swap3A_344] {strides = array<i32>} : memref<128x64xf32, #tpu.memory_space<vmem>>, vector<16xf32>,
        tpu.vector_store %arg8[%swap3A_343, %swap3A_344], %get3A_129 {add = true, strides = array<i32>} : memref<128x64xf32, #tpu.memory_space<vmem>>, vector<16xf32>,
        %scan3A_346 = arith.constant 6 : i32
        %scan3A_347 = arith.addi %scan3A_240, %scan3A_346 : i32
        %mul3A_348 = arith.constant 1 : i32
        %mul3A_349 = arith.muli %scan3A_347, %mul3A_348 : i32
        %add3A_350 = arith.constant 0 : i32
        %add3A_351 = arith.addi %add3A_350, %mul3A_349 : i32
        %swap3A_352 = arith.index_cast %add3A_351 : i32 to index
        %swap3A_353 = arith.constant 0 : index
        %swap3A_354 = tpu.vector_load %arg8[%swap3A_352, %swap3A_353] {strides = array<i32>} : memref<128x64xf32, #tpu.memory_space<vmem>>, vector<16xf32>,
        tpu.vector_store %arg8[%swap3A_352, %swap3A_353], %get3A_120 {add = true, strides = array<i32>} : memref<128x64xf32, #tpu.memory_space<vmem>>, vector<16xf32>,
        %swap3A_355 = arith.index_cast %add3A_351 : i32 to index
        %swap3A_356 = arith.constant 16 : index
        %swap3A_357 = tpu.vector_load %arg8[%swap3A_355, %swap3A_356] {strides = array<i32>} : memref<128x64xf32, #tpu.memory_space<vmem>>, vector<16xf32>,
        tpu.vector_store %arg8[%swap3A_355, %swap3A_356], %get3A_123 {add = true, strides = array<i32>} : memref<128x64xf32, #tpu.memory_space<vmem>>, vector<16xf32>,
        %swap3A_358 = arith.index_cast %add3A_351 : i32 to index
        %swap3A_359 = arith.constant 32 : index
        %swap3A_360 = tpu.vector_load %arg8[%swap3A_358, %swap3A_359] {strides = array<i32>} : memref<128x64xf32, #tpu.memory_space<vmem>>, vector<16xf32>,
        tpu.vector_store %arg8[%swap3A_358, %swap3A_359], %get3A_126 {add = true, strides = array<i32>} : memref<128x64xf32, #tpu.memory_space<vmem>>, vector<16xf32>,
        %swap3A_361 = arith.index_cast %add3A_351 : i32 to index
        %swap3A_362 = arith.constant 48 : index
        %swap3A_363 = tpu.vector_load %arg8[%swap3A_361, %swap3A_362] {strides = array<i32>} : memref<128x64xf32, #tpu.memory_space<vmem>>, vector<16xf32>,
        tpu.vector_store %arg8[%swap3A_361, %swap3A_362], %get3A_129 {add = true, strides = array<i32>} : memref<128x64xf32, #tpu.memory_space<vmem>>, vector<16xf32>,
        %scan3A_364 = arith.constant 7 : i32
        %scan3A_365 = arith.addi %scan3A_240, %scan3A_364 : i32
        %mul3A_366 = arith.constant 1 : i32
        %mul3A_367 = arith.muli %scan3A_365, %mul3A_366 : i32
        %add3A_368 = arith.constant 0 : i32
        %add3A_369 = arith.addi %add3A_368, %mul3A_367 : i32
        %swap3A_370 = arith.index_cast %add3A_369 : i32 to index
        %swap3A_371 = arith.constant 0 : index
        %swap3A_372 = tpu.vector_load %arg8[%swap3A_370, %swap3A_371] {strides = array<i32>} : memref<128x64xf32, #tpu.memory_space<vmem>>, vector<16xf32>,
        tpu.vector_store %arg8[%swap3A_370, %swap3A_371], %get3A_120 {add = true, strides = array<i32>} : memref<128x64xf32, #tpu.memory_space<vmem>>, vector<16xf32>,
        %swap3A_373 = arith.index_cast %add3A_369 : i32 to index
        %swap3A_374 = arith.constant 16 : index
        %swap3A_375 = tpu.vector_load %arg8[%swap3A_373, %swap3A_374] {strides = array<i32>} : memref<128x64xf32, #tpu.memory_space<vmem>>, vector<16xf32>,
        tpu.vector_store %arg8[%swap3A_373, %swap3A_374], %get3A_123 {add = true, strides = array<i32>} : memref<128x64xf32, #tpu.memory_space<vmem>>, vector<16xf32>,
        %swap3A_376 = arith.index_cast %add3A_369 : i32 to index
        %swap3A_377 = arith.constant 32 : index
        %swap3A_378 = tpu.vector_load %arg8[%swap3A_376, %swap3A_377] {strides = array<i32>} : memref<128x64xf32, #tpu.memory_space<vmem>>, vector<16xf32>,
        tpu.vector_store %arg8[%swap3A_376, %swap3A_377], %get3A_126 {add = true, strides = array<i32>} : memref<128x64xf32, #tpu.memory_space<vmem>>, vector<16xf32>,
        %swap3A_379 = arith.index_cast %add3A_369 : i32 to index
        %swap3A_380 = arith.constant 48 : index
        %swap3A_381 = tpu.vector_load %arg8[%swap3A_379, %swap3A_380] {strides = array<i32>} : memref<128x64xf32, #tpu.memory_space<vmem>>, vector<16xf32>,
        tpu.vector_store %arg8[%swap3A_379, %swap3A_380], %get3A_129 {add = true, strides = array<i32>} : memref<128x64xf32, #tpu.memory_space<vmem>>, vector<16xf32>,
      }
      %scan3A_134 = arith.constant 128 : i32
      %dma_start3A_135 = arith.constant 0 : i32
      %dma_start3A_136 = tpu.memref_slice %arg5[%mul3A_2, %add3A_112, %dma_start3A_135] : memref<4096x200x64xf32, #tpu.memory_space<hbm>> -> memref<128x1x64xf32, #tpu.memory_space<hbm>>
      %dma_start3A_137 = tpu.memref_squeeze %dma_start3A_136 : memref<128x1x64xf32, #tpu.memory_space<hbm>> -> memref<128x64xf32, #tpu.memory_space<hbm>>
      %dma_start3A_138 = arith.constant 0 : i32
      %dma_start3A_139 = tpu.memref_slice %arg5[%mul3A_2, %add3A_112, %dma_start3A_138] : memref<4096x200x64xf32, #tpu.memory_space<hbm>> -> memref<128x1x64xf32, #tpu.memory_space<hbm>>
      %dma_start3A_140 = tpu.memref_squeeze %dma_start3A_139 : memref<128x1x64xf32, #tpu.memory_space<hbm>> -> memref<128x64xf32, #tpu.memory_space<hbm>>
      tpu.enqueue_dma source(%arg8 : memref<128x64xf32, #tpu.memory_space<vmem>>) target(%dma_start3A_140 : memref<128x64xf32, #tpu.memory_space<hbm>>) target_semaphore(%arg16 : memref<!tpu.dma_semaphore, #tpu.memory_space<semaphore_mem>>)
      %mul3A_141 = arith.constant 4 : i32
      %mul3A_142 = arith.muli %add3A_38, %mul3A_141 : i32
      %add3A_143 = arith.constant 1 : i32
      %add3A_144 = arith.addi %mul3A_142, %add3A_143 : i32
      %dma_wait3A_145 = arith.constant 0 : i32
      %dma_wait3A_146 = tpu.memref_slice %arg6[%div3A_62, %rem3A_64, %dma_wait3A_145] : memref<25x8x128xi32, #tpu.memory_space<vmem>> -> memref<1x1x128xi32, #tpu.memory_space<vmem>>
      %dma_wait3A_147 = tpu.memref_squeeze %dma_wait3A_146 : memref<1x1x128xi32, #tpu.memory_space<vmem>> -> memref<128xi32, #tpu.memory_space<vmem>>
      %dma_wait3A_148 = arith.constant 0 : i32
      %dma_wait3A_149 = arith.constant 0 : i32
      %dma_wait3A_150 = tpu.memref_slice %arg3[%dma_wait3A_148, %dma_wait3A_149] : memref<1000000x64xf32, #tpu.memory_space<hbm>> -> memref<1000000x64xf32, #tpu.memory_space<hbm>>
      tpu.wait_indirect_dma semaphore(%arg13 : memref<!tpu.dma_semaphore, #tpu.memory_space<semaphore_mem>>) src(%dma_wait3A_150 : memref<1000000x64xf32, #tpu.memory_space<hbm>>) dst(%arg9 : memref<128x64xf32, #tpu.memory_space<vmem>>)
      %get3A_151 = arith.index_cast %add3A_144 : i32 to index
      %get3A_152 = arith.constant 0 : index
      %get3A_153 = tpu.vector_load %arg7[%get3A_151, %get3A_152] {strides = array<i32>} : memref<200x64xf32, #tpu.memory_space<vmem>>, vector<16xf32>,
      %get3A_154 = arith.index_cast %add3A_144 : i32 to index
      %get3A_155 = arith.constant 16 : index
      %get3A_156 = tpu.vector_load %arg7[%get3A_154, %get3A_155] {strides = array<i32>} : memref<200x64xf32, #tpu.memory_space<vmem>>, vector<16xf32>,
      %get3A_157 = arith.index_cast %add3A_144 : i32 to index
      %get3A_158 = arith.constant 32 : index
      %get3A_159 = tpu.vector_load %arg7[%get3A_157, %get3A_158] {strides = array<i32>} : memref<200x64xf32, #tpu.memory_space<vmem>>, vector<16xf32>,
      %get3A_160 = arith.index_cast %add3A_144 : i32 to index
      %get3A_161 = arith.constant 48 : index
      %get3A_162 = tpu.vector_load %arg7[%get3A_160, %get3A_161] {strides = array<i32>} : memref<200x64xf32, #tpu.memory_space<vmem>>, vector<16xf32>,
      %scan3A_163 = arith.constant 0 : i32
      %scan3A_164 = arith.constant 128 : i32
      %scan3A_165 = arith.addi %scan3A_163, %scan3A_164 : i32
      %scan3A_166 = arith.constant 8 : i32
      scf.for %scan3A_240 = %scan3A_163 to %scan3A_165 step %scan3A_166  : i32 {
        %mul3A_241 = arith.constant 1 : i32
        %mul3A_242 = arith.muli %scan3A_240, %mul3A_241 : i32
        %add3A_243 = arith.constant 0 : i32
        %add3A_244 = arith.addi %add3A_243, %mul3A_242 : i32
        %swap3A = arith.index_cast %add3A_244 : i32 to index
        %swap3A_245 = arith.constant 0 : index
        %swap3A_246 = tpu.vector_load %arg9[%swap3A, %swap3A_245] {strides = array<i32>} : memref<128x64xf32, #tpu.memory_space<vmem>>, vector<16xf32>,
        tpu.vector_store %arg9[%swap3A, %swap3A_245], %get3A_153 {add = true, strides = array<i32>} : memref<128x64xf32, #tpu.memory_space<vmem>>, vector<16xf32>,
        %swap3A_247 = arith.index_cast %add3A_244 : i32 to index
        %swap3A_248 = arith.constant 16 : index
        %swap3A_249 = tpu.vector_load %arg9[%swap3A_247, %swap3A_248] {strides = array<i32>} : memref<128x64xf32, #tpu.memory_space<vmem>>, vector<16xf32>,
        tpu.vector_store %arg9[%swap3A_247, %swap3A_248], %get3A_156 {add = true, strides = array<i32>} : memref<128x64xf32, #tpu.memory_space<vmem>>, vector<16xf32>,
        %swap3A_250 = arith.index_cast %add3A_244 : i32 to index
        %swap3A_251 = arith.constant 32 : index
        %swap3A_252 = tpu.vector_load %arg9[%swap3A_250, %swap3A_251] {strides = array<i32>} : memref<128x64xf32, #tpu.memory_space<vmem>>, vector<16xf32>,
        tpu.vector_store %arg9[%swap3A_250, %swap3A_251], %get3A_159 {add = true, strides = array<i32>} : memref<128x64xf32, #tpu.memory_space<vmem>>, vector<16xf32>,
        %swap3A_253 = arith.index_cast %add3A_244 : i32 to index
        %swap3A_254 = arith.constant 48 : index
        %swap3A_255 = tpu.vector_load %arg9[%swap3A_253, %swap3A_254] {strides = array<i32>} : memref<128x64xf32, #tpu.memory_space<vmem>>, vector<16xf32>,
        tpu.vector_store %arg9[%swap3A_253, %swap3A_254], %get3A_162 {add = true, strides = array<i32>} : memref<128x64xf32, #tpu.memory_space<vmem>>, vector<16xf32>,
        %scan3A_256 = arith.constant 1 : i32
        %scan3A_257 = arith.addi %scan3A_240, %scan3A_256 : i32
        %mul3A_258 = arith.constant 1 : i32
        %mul3A_259 = arith.muli %scan3A_257, %mul3A_258 : i32
        %add3A_260 = arith.constant 0 : i32
        %add3A_261 = arith.addi %add3A_260, %mul3A_259 : i32
        %swap3A_262 = arith.index_cast %add3A_261 : i32 to index
        %swap3A_263 = arith.constant 0 : index
        %swap3A_264 = tpu.vector_load %arg9[%swap3A_262, %swap3A_263] {strides = array<i32>} : memref<128x64xf32, #tpu.memory_space<vmem>>, vector<16xf32>,
        tpu.vector_store %arg9[%swap3A_262, %swap3A_263], %get3A_153 {add = true, strides = array<i32>} : memref<128x64xf32, #tpu.memory_space<vmem>>, vector<16xf32>,
        %swap3A_265 = arith.index_cast %add3A_261 : i32 to index
        %swap3A_266 = arith.constant 16 : index
        %swap3A_267 = tpu.vector_load %arg9[%swap3A_265, %swap3A_266] {strides = array<i32>} : memref<128x64xf32, #tpu.memory_space<vmem>>, vector<16xf32>,
        tpu.vector_store %arg9[%swap3A_265, %swap3A_266], %get3A_156 {add = true, strides = array<i32>} : memref<128x64xf32, #tpu.memory_space<vmem>>, vector<16xf32>,
        %swap3A_268 = arith.index_cast %add3A_261 : i32 to index
        %swap3A_269 = arith.constant 32 : index
        %swap3A_270 = tpu.vector_load %arg9[%swap3A_268, %swap3A_269] {strides = array<i32>} : memref<128x64xf32, #tpu.memory_space<vmem>>, vector<16xf32>,
        tpu.vector_store %arg9[%swap3A_268, %swap3A_269], %get3A_159 {add = true, strides = array<i32>} : memref<128x64xf32, #tpu.memory_space<vmem>>, vector<16xf32>,
        %swap3A_271 = arith.index_cast %add3A_261 : i32 to index
        %swap3A_272 = arith.constant 48 : index
        %swap3A_273 = tpu.vector_load %arg9[%swap3A_271, %swap3A_272] {strides = array<i32>} : memref<128x64xf32, #tpu.memory_space<vmem>>, vector<16xf32>,
        tpu.vector_store %arg9[%swap3A_271, %swap3A_272], %get3A_162 {add = true, strides = array<i32>} : memref<128x64xf32, #tpu.memory_space<vmem>>, vector<16xf32>,
        %scan3A_274 = arith.constant 2 : i32
        %scan3A_275 = arith.addi %scan3A_240, %scan3A_274 : i32
        %mul3A_276 = arith.constant 1 : i32
        %mul3A_277 = arith.muli %scan3A_275, %mul3A_276 : i32
        %add3A_278 = arith.constant 0 : i32
        %add3A_279 = arith.addi %add3A_278, %mul3A_277 : i32
        %swap3A_280 = arith.index_cast %add3A_279 : i32 to index
        %swap3A_281 = arith.constant 0 : index
        %swap3A_282 = tpu.vector_load %arg9[%swap3A_280, %swap3A_281] {strides = array<i32>} : memref<128x64xf32, #tpu.memory_space<vmem>>, vector<16xf32>,
        tpu.vector_store %arg9[%swap3A_280, %swap3A_281], %get3A_153 {add = true, strides = array<i32>} : memref<128x64xf32, #tpu.memory_space<vmem>>, vector<16xf32>,
        %swap3A_283 = arith.index_cast %add3A_279 : i32 to index
        %swap3A_284 = arith.constant 16 : index
        %swap3A_285 = tpu.vector_load %arg9[%swap3A_283, %swap3A_284] {strides = array<i32>} : memref<128x64xf32, #tpu.memory_space<vmem>>, vector<16xf32>,
        tpu.vector_store %arg9[%swap3A_283, %swap3A_284], %get3A_156 {add = true, strides = array<i32>} : memref<128x64xf32, #tpu.memory_space<vmem>>, vector<16xf32>,
        %swap3A_286 = arith.index_cast %add3A_279 : i32 to index
        %swap3A_287 = arith.constant 32 : index
        %swap3A_288 = tpu.vector_load %arg9[%swap3A_286, %swap3A_287] {strides = array<i32>} : memref<128x64xf32, #tpu.memory_space<vmem>>, vector<16xf32>,
        tpu.vector_store %arg9[%swap3A_286, %swap3A_287], %get3A_159 {add = true, strides = array<i32>} : memref<128x64xf32, #tpu.memory_space<vmem>>, vector<16xf32>,
        %swap3A_289 = arith.index_cast %add3A_279 : i32 to index
        %swap3A_290 = arith.constant 48 : index
        %swap3A_291 = tpu.vector_load %arg9[%swap3A_289, %swap3A_290] {strides = array<i32>} : memref<128x64xf32, #tpu.memory_space<vmem>>, vector<16xf32>,
        tpu.vector_store %arg9[%swap3A_289, %swap3A_290], %get3A_162 {add = true, strides = array<i32>} : memref<128x64xf32, #tpu.memory_space<vmem>>, vector<16xf32>,
        %scan3A_292 = arith.constant 3 : i32
        %scan3A_293 = arith.addi %scan3A_240, %scan3A_292 : i32
        %mul3A_294 = arith.constant 1 : i32
        %mul3A_295 = arith.muli %scan3A_293, %mul3A_294 : i32
        %add3A_296 = arith.constant 0 : i32
        %add3A_297 = arith.addi %add3A_296, %mul3A_295 : i32
        %swap3A_298 = arith.index_cast %add3A_297 : i32 to index
        %swap3A_299 = arith.constant 0 : index
        %swap3A_300 = tpu.vector_load %arg9[%swap3A_298, %swap3A_299] {strides = array<i32>} : memref<128x64xf32, #tpu.memory_space<vmem>>, vector<16xf32>,
        tpu.vector_store %arg9[%swap3A_298, %swap3A_299], %get3A_153 {add = true, strides = array<i32>} : memref<128x64xf32, #tpu.memory_space<vmem>>, vector<16xf32>,
        %swap3A_301 = arith.index_cast %add3A_297 : i32 to index
        %swap3A_302 = arith.constant 16 : index
        %swap3A_303 = tpu.vector_load %arg9[%swap3A_301, %swap3A_302] {strides = array<i32>} : memref<128x64xf32, #tpu.memory_space<vmem>>, vector<16xf32>,
        tpu.vector_store %arg9[%swap3A_301, %swap3A_302], %get3A_156 {add = true, strides = array<i32>} : memref<128x64xf32, #tpu.memory_space<vmem>>, vector<16xf32>,
        %swap3A_304 = arith.index_cast %add3A_297 : i32 to index
        %swap3A_305 = arith.constant 32 : index
        %swap3A_306 = tpu.vector_load %arg9[%swap3A_304, %swap3A_305] {strides = array<i32>} : memref<128x64xf32, #tpu.memory_space<vmem>>, vector<16xf32>,
        tpu.vector_store %arg9[%swap3A_304, %swap3A_305], %get3A_159 {add = true, strides = array<i32>} : memref<128x64xf32, #tpu.memory_space<vmem>>, vector<16xf32>,
        %swap3A_307 = arith.index_cast %add3A_297 : i32 to index
        %swap3A_308 = arith.constant 48 : index
        %swap3A_309 = tpu.vector_load %arg9[%swap3A_307, %swap3A_308] {strides = array<i32>} : memref<128x64xf32, #tpu.memory_space<vmem>>, vector<16xf32>,
        tpu.vector_store %arg9[%swap3A_307, %swap3A_308], %get3A_162 {add = true, strides = array<i32>} : memref<128x64xf32, #tpu.memory_space<vmem>>, vector<16xf32>,
        %scan3A_310 = arith.constant 4 : i32
        %scan3A_311 = arith.addi %scan3A_240, %scan3A_310 : i32
        %mul3A_312 = arith.constant 1 : i32
        %mul3A_313 = arith.muli %scan3A_311, %mul3A_312 : i32
        %add3A_314 = arith.constant 0 : i32
        %add3A_315 = arith.addi %add3A_314, %mul3A_313 : i32
        %swap3A_316 = arith.index_cast %add3A_315 : i32 to index
        %swap3A_317 = arith.constant 0 : index
        %swap3A_318 = tpu.vector_load %arg9[%swap3A_316, %swap3A_317] {strides = array<i32>} : memref<128x64xf32, #tpu.memory_space<vmem>>, vector<16xf32>,
        tpu.vector_store %arg9[%swap3A_316, %swap3A_317], %get3A_153 {add = true, strides = array<i32>} : memref<128x64xf32, #tpu.memory_space<vmem>>, vector<16xf32>,
        %swap3A_319 = arith.index_cast %add3A_315 : i32 to index
        %swap3A_320 = arith.constant 16 : index
        %swap3A_321 = tpu.vector_load %arg9[%swap3A_319, %swap3A_320] {strides = array<i32>} : memref<128x64xf32, #tpu.memory_space<vmem>>, vector<16xf32>,
        tpu.vector_store %arg9[%swap3A_319, %swap3A_320], %get3A_156 {add = true, strides = array<i32>} : memref<128x64xf32, #tpu.memory_space<vmem>>, vector<16xf32>,
        %swap3A_322 = arith.index_cast %add3A_315 : i32 to index
        %swap3A_323 = arith.constant 32 : index
        %swap3A_324 = tpu.vector_load %arg9[%swap3A_322, %swap3A_323] {strides = array<i32>} : memref<128x64xf32, #tpu.memory_space<vmem>>, vector<16xf32>,
        tpu.vector_store %arg9[%swap3A_322, %swap3A_323], %get3A_159 {add = true, strides = array<i32>} : memref<128x64xf32, #tpu.memory_space<vmem>>, vector<16xf32>,
        %swap3A_325 = arith.index_cast %add3A_315 : i32 to index
        %swap3A_326 = arith.constant 48 : index
        %swap3A_327 = tpu.vector_load %arg9[%swap3A_325, %swap3A_326] {strides = array<i32>} : memref<128x64xf32, #tpu.memory_space<vmem>>, vector<16xf32>,
        tpu.vector_store %arg9[%swap3A_325, %swap3A_326], %get3A_162 {add = true, strides = array<i32>} : memref<128x64xf32, #tpu.memory_space<vmem>>, vector<16xf32>,
        %scan3A_328 = arith.constant 5 : i32
        %scan3A_329 = arith.addi %scan3A_240, %scan3A_328 : i32
        %mul3A_330 = arith.constant 1 : i32
        %mul3A_331 = arith.muli %scan3A_329, %mul3A_330 : i32
        %add3A_332 = arith.constant 0 : i32
        %add3A_333 = arith.addi %add3A_332, %mul3A_331 : i32
        %swap3A_334 = arith.index_cast %add3A_333 : i32 to index
        %swap3A_335 = arith.constant 0 : index
        %swap3A_336 = tpu.vector_load %arg9[%swap3A_334, %swap3A_335] {strides = array<i32>} : memref<128x64xf32, #tpu.memory_space<vmem>>, vector<16xf32>,
        tpu.vector_store %arg9[%swap3A_334, %swap3A_335], %get3A_153 {add = true, strides = array<i32>} : memref<128x64xf32, #tpu.memory_space<vmem>>, vector<16xf32>,
        %swap3A_337 = arith.index_cast %add3A_333 : i32 to index
        %swap3A_338 = arith.constant 16 : index
        %swap3A_339 = tpu.vector_load %arg9[%swap3A_337, %swap3A_338] {strides = array<i32>} : memref<128x64xf32, #tpu.memory_space<vmem>>, vector<16xf32>,
        tpu.vector_store %arg9[%swap3A_337, %swap3A_338], %get3A_156 {add = true, strides = array<i32>} : memref<128x64xf32, #tpu.memory_space<vmem>>, vector<16xf32>,
        %swap3A_340 = arith.index_cast %add3A_333 : i32 to index
        %swap3A_341 = arith.constant 32 : index
        %swap3A_342 = tpu.vector_load %arg9[%swap3A_340, %swap3A_341] {strides = array<i32>} : memref<128x64xf32, #tpu.memory_space<vmem>>, vector<16xf32>,
        tpu.vector_store %arg9[%swap3A_340, %swap3A_341], %get3A_159 {add = true, strides = array<i32>} : memref<128x64xf32, #tpu.memory_space<vmem>>, vector<16xf32>,
        %swap3A_343 = arith.index_cast %add3A_333 : i32 to index
        %swap3A_344 = arith.constant 48 : index
        %swap3A_345 = tpu.vector_load %arg9[%swap3A_343, %swap3A_344] {strides = array<i32>} : memref<128x64xf32, #tpu.memory_space<vmem>>, vector<16xf32>,
        tpu.vector_store %arg9[%swap3A_343, %swap3A_344], %get3A_162 {add = true, strides = array<i32>} : memref<128x64xf32, #tpu.memory_space<vmem>>, vector<16xf32>,
        %scan3A_346 = arith.constant 6 : i32
        %scan3A_347 = arith.addi %scan3A_240, %scan3A_346 : i32
        %mul3A_348 = arith.constant 1 : i32
        %mul3A_349 = arith.muli %scan3A_347, %mul3A_348 : i32
        %add3A_350 = arith.constant 0 : i32
        %add3A_351 = arith.addi %add3A_350, %mul3A_349 : i32
        %swap3A_352 = arith.index_cast %add3A_351 : i32 to index
        %swap3A_353 = arith.constant 0 : index
        %swap3A_354 = tpu.vector_load %arg9[%swap3A_352, %swap3A_353] {strides = array<i32>} : memref<128x64xf32, #tpu.memory_space<vmem>>, vector<16xf32>,
        tpu.vector_store %arg9[%swap3A_352, %swap3A_353], %get3A_153 {add = true, strides = array<i32>} : memref<128x64xf32, #tpu.memory_space<vmem>>, vector<16xf32>,
        %swap3A_355 = arith.index_cast %add3A_351 : i32 to index
        %swap3A_356 = arith.constant 16 : index
        %swap3A_357 = tpu.vector_load %arg9[%swap3A_355, %swap3A_356] {strides = array<i32>} : memref<128x64xf32, #tpu.memory_space<vmem>>, vector<16xf32>,
        tpu.vector_store %arg9[%swap3A_355, %swap3A_356], %get3A_156 {add = true, strides = array<i32>} : memref<128x64xf32, #tpu.memory_space<vmem>>, vector<16xf32>,
        %swap3A_358 = arith.index_cast %add3A_351 : i32 to index
        %swap3A_359 = arith.constant 32 : index
        %swap3A_360 = tpu.vector_load %arg9[%swap3A_358, %swap3A_359] {strides = array<i32>} : memref<128x64xf32, #tpu.memory_space<vmem>>, vector<16xf32>,
        tpu.vector_store %arg9[%swap3A_358, %swap3A_359], %get3A_159 {add = true, strides = array<i32>} : memref<128x64xf32, #tpu.memory_space<vmem>>, vector<16xf32>,
        %swap3A_361 = arith.index_cast %add3A_351 : i32 to index
        %swap3A_362 = arith.constant 48 : index
        %swap3A_363 = tpu.vector_load %arg9[%swap3A_361, %swap3A_362] {strides = array<i32>} : memref<128x64xf32, #tpu.memory_space<vmem>>, vector<16xf32>,
        tpu.vector_store %arg9[%swap3A_361, %swap3A_362], %get3A_162 {add = true, strides = array<i32>} : memref<128x64xf32, #tpu.memory_space<vmem>>, vector<16xf32>,
        %scan3A_364 = arith.constant 7 : i32
        %scan3A_365 = arith.addi %scan3A_240, %scan3A_364 : i32
        %mul3A_366 = arith.constant 1 : i32
        %mul3A_367 = arith.muli %scan3A_365, %mul3A_366 : i32
        %add3A_368 = arith.constant 0 : i32
        %add3A_369 = arith.addi %add3A_368, %mul3A_367 : i32
        %swap3A_370 = arith.index_cast %add3A_369 : i32 to index
        %swap3A_371 = arith.constant 0 : index
        %swap3A_372 = tpu.vector_load %arg9[%swap3A_370, %swap3A_371] {strides = array<i32>} : memref<128x64xf32, #tpu.memory_space<vmem>>, vector<16xf32>,
        tpu.vector_store %arg9[%swap3A_370, %swap3A_371], %get3A_153 {add = true, strides = array<i32>} : memref<128x64xf32, #tpu.memory_space<vmem>>, vector<16xf32>,
        %swap3A_373 = arith.index_cast %add3A_369 : i32 to index
        %swap3A_374 = arith.constant 16 : index
        %swap3A_375 = tpu.vector_load %arg9[%swap3A_373, %swap3A_374] {strides = array<i32>} : memref<128x64xf32, #tpu.memory_space<vmem>>, vector<16xf32>,
        tpu.vector_store %arg9[%swap3A_373, %swap3A_374], %get3A_156 {add = true, strides = array<i32>} : memref<128x64xf32, #tpu.memory_space<vmem>>, vector<16xf32>,
        %swap3A_376 = arith.index_cast %add3A_369 : i32 to index
        %swap3A_377 = arith.constant 32 : index
        %swap3A_378 = tpu.vector_load %arg9[%swap3A_376, %swap3A_377] {strides = array<i32>} : memref<128x64xf32, #tpu.memory_space<vmem>>, vector<16xf32>,
        tpu.vector_store %arg9[%swap3A_376, %swap3A_377], %get3A_159 {add = true, strides = array<i32>} : memref<128x64xf32, #tpu.memory_space<vmem>>, vector<16xf32>,
        %swap3A_379 = arith.index_cast %add3A_369 : i32 to index
        %swap3A_380 = arith.constant 48 : index
        %swap3A_381 = tpu.vector_load %arg9[%swap3A_379, %swap3A_380] {strides = array<i32>} : memref<128x64xf32, #tpu.memory_space<vmem>>, vector<16xf32>,
        tpu.vector_store %arg9[%swap3A_379, %swap3A_380], %get3A_162 {add = true, strides = array<i32>} : memref<128x64xf32, #tpu.memory_space<vmem>>, vector<16xf32>,
      }
      %scan3A_167 = arith.constant 128 : i32
      %dma_start3A_168 = arith.constant 0 : i32
      %dma_start3A_169 = tpu.memref_slice %arg5[%mul3A_2, %add3A_144, %dma_start3A_168] : memref<4096x200x64xf32, #tpu.memory_space<hbm>> -> memref<128x1x64xf32, #tpu.memory_space<hbm>>
      %dma_start3A_170 = tpu.memref_squeeze %dma_start3A_169 : memref<128x1x64xf32, #tpu.memory_space<hbm>> -> memref<128x64xf32, #tpu.memory_space<hbm>>
      %dma_start3A_171 = arith.constant 0 : i32
      %dma_start3A_172 = tpu.memref_slice %arg5[%mul3A_2, %add3A_144, %dma_start3A_171] : memref<4096x200x64xf32, #tpu.memory_space<hbm>> -> memref<128x1x64xf32, #tpu.memory_space<hbm>>
      %dma_start3A_173 = tpu.memref_squeeze %dma_start3A_172 : memref<128x1x64xf32, #tpu.memory_space<hbm>> -> memref<128x64xf32, #tpu.memory_space<hbm>>
      tpu.enqueue_dma source(%arg9 : memref<128x64xf32, #tpu.memory_space<vmem>>) target(%dma_start3A_173 : memref<128x64xf32, #tpu.memory_space<hbm>>) target_semaphore(%arg17 : memref<!tpu.dma_semaphore, #tpu.memory_space<semaphore_mem>>)
      %mul3A_174 = arith.constant 4 : i32
      %mul3A_175 = arith.muli %add3A_38, %mul3A_174 : i32
      %add3A_176 = arith.constant 2 : i32
      %add3A_177 = arith.addi %mul3A_175, %add3A_176 : i32
      %dma_wait3A_178 = arith.constant 0 : i32
      %dma_wait3A_179 = tpu.memref_slice %arg6[%div3A_81, %rem3A_83, %dma_wait3A_178] : memref<25x8x128xi32, #tpu.memory_space<vmem>> -> memref<1x1x128xi32, #tpu.memory_space<vmem>>
      %dma_wait3A_180 = tpu.memref_squeeze %dma_wait3A_179 : memref<1x1x128xi32, #tpu.memory_space<vmem>> -> memref<128xi32, #tpu.memory_space<vmem>>
      %dma_wait3A_181 = arith.constant 0 : i32
      %dma_wait3A_182 = arith.constant 0 : i32
      %dma_wait3A_183 = tpu.memref_slice %arg3[%dma_wait3A_181, %dma_wait3A_182] : memref<1000000x64xf32, #tpu.memory_space<hbm>> -> memref<1000000x64xf32, #tpu.memory_space<hbm>>
      tpu.wait_indirect_dma semaphore(%arg14 : memref<!tpu.dma_semaphore, #tpu.memory_space<semaphore_mem>>) src(%dma_wait3A_183 : memref<1000000x64xf32, #tpu.memory_space<hbm>>) dst(%arg10 : memref<128x64xf32, #tpu.memory_space<vmem>>)
      %get3A_184 = arith.index_cast %add3A_177 : i32 to index
      %get3A_185 = arith.constant 0 : index
      %get3A_186 = tpu.vector_load %arg7[%get3A_184, %get3A_185] {strides = array<i32>} : memref<200x64xf32, #tpu.memory_space<vmem>>, vector<16xf32>,
      %get3A_187 = arith.index_cast %add3A_177 : i32 to index
      %get3A_188 = arith.constant 16 : index
      %get3A_189 = tpu.vector_load %arg7[%get3A_187, %get3A_188] {strides = array<i32>} : memref<200x64xf32, #tpu.memory_space<vmem>>, vector<16xf32>,
      %get3A_190 = arith.index_cast %add3A_177 : i32 to index
      %get3A_191 = arith.constant 32 : index
      %get3A_192 = tpu.vector_load %arg7[%get3A_190, %get3A_191] {strides = array<i32>} : memref<200x64xf32, #tpu.memory_space<vmem>>, vector<16xf32>,
      %get3A_193 = arith.index_cast %add3A_177 : i32 to index
      %get3A_194 = arith.constant 48 : index
      %get3A_195 = tpu.vector_load %arg7[%get3A_193, %get3A_194] {strides = array<i32>} : memref<200x64xf32, #tpu.memory_space<vmem>>, vector<16xf32>,
      %scan3A_196 = arith.constant 0 : i32
      %scan3A_197 = arith.constant 128 : i32
      %scan3A_198 = arith.addi %scan3A_196, %scan3A_197 : i32
      %scan3A_199 = arith.constant 8 : i32
      scf.for %scan3A_240 = %scan3A_196 to %scan3A_198 step %scan3A_199  : i32 {
        %mul3A_241 = arith.constant 1 : i32
        %mul3A_242 = arith.muli %scan3A_240, %mul3A_241 : i32
        %add3A_243 = arith.constant 0 : i32
        %add3A_244 = arith.addi %add3A_243, %mul3A_242 : i32
        %swap3A = arith.index_cast %add3A_244 : i32 to index
        %swap3A_245 = arith.constant 0 : index
        %swap3A_246 = tpu.vector_load %arg10[%swap3A, %swap3A_245] {strides = array<i32>} : memref<128x64xf32, #tpu.memory_space<vmem>>, vector<16xf32>,
        tpu.vector_store %arg10[%swap3A, %swap3A_245], %get3A_186 {add = true, strides = array<i32>} : memref<128x64xf32, #tpu.memory_space<vmem>>, vector<16xf32>,
        %swap3A_247 = arith.index_cast %add3A_244 : i32 to index
        %swap3A_248 = arith.constant 16 : index
        %swap3A_249 = tpu.vector_load %arg10[%swap3A_247, %swap3A_248] {strides = array<i32>} : memref<128x64xf32, #tpu.memory_space<vmem>>, vector<16xf32>,
        tpu.vector_store %arg10[%swap3A_247, %swap3A_248], %get3A_189 {add = true, strides = array<i32>} : memref<128x64xf32, #tpu.memory_space<vmem>>, vector<16xf32>,
        %swap3A_250 = arith.index_cast %add3A_244 : i32 to index
        %swap3A_251 = arith.constant 32 : index
        %swap3A_252 = tpu.vector_load %arg10[%swap3A_250, %swap3A_251] {strides = array<i32>} : memref<128x64xf32, #tpu.memory_space<vmem>>, vector<16xf32>,
        tpu.vector_store %arg10[%swap3A_250, %swap3A_251], %get3A_192 {add = true, strides = array<i32>} : memref<128x64xf32, #tpu.memory_space<vmem>>, vector<16xf32>,
        %swap3A_253 = arith.index_cast %add3A_244 : i32 to index
        %swap3A_254 = arith.constant 48 : index
        %swap3A_255 = tpu.vector_load %arg10[%swap3A_253, %swap3A_254] {strides = array<i32>} : memref<128x64xf32, #tpu.memory_space<vmem>>, vector<16xf32>,
        tpu.vector_store %arg10[%swap3A_253, %swap3A_254], %get3A_195 {add = true, strides = array<i32>} : memref<128x64xf32, #tpu.memory_space<vmem>>, vector<16xf32>,
        %scan3A_256 = arith.constant 1 : i32
        %scan3A_257 = arith.addi %scan3A_240, %scan3A_256 : i32
        %mul3A_258 = arith.constant 1 : i32
        %mul3A_259 = arith.muli %scan3A_257, %mul3A_258 : i32
        %add3A_260 = arith.constant 0 : i32
        %add3A_261 = arith.addi %add3A_260, %mul3A_259 : i32
        %swap3A_262 = arith.index_cast %add3A_261 : i32 to index
        %swap3A_263 = arith.constant 0 : index
        %swap3A_264 = tpu.vector_load %arg10[%swap3A_262, %swap3A_263] {strides = array<i32>} : memref<128x64xf32, #tpu.memory_space<vmem>>, vector<16xf32>,
        tpu.vector_store %arg10[%swap3A_262, %swap3A_263], %get3A_186 {add = true, strides = array<i32>} : memref<128x64xf32, #tpu.memory_space<vmem>>, vector<16xf32>,
        %swap3A_265 = arith.index_cast %add3A_261 : i32 to index
        %swap3A_266 = arith.constant 16 : index
        %swap3A_267 = tpu.vector_load %arg10[%swap3A_265, %swap3A_266] {strides = array<i32>} : memref<128x64xf32, #tpu.memory_space<vmem>>, vector<16xf32>,
        tpu.vector_store %arg10[%swap3A_265, %swap3A_266], %get3A_189 {add = true, strides = array<i32>} : memref<128x64xf32, #tpu.memory_space<vmem>>, vector<16xf32>,
        %swap3A_268 = arith.index_cast %add3A_261 : i32 to index
        %swap3A_269 = arith.constant 32 : index
        %swap3A_270 = tpu.vector_load %arg10[%swap3A_268, %swap3A_269] {strides = array<i32>} : memref<128x64xf32, #tpu.memory_space<vmem>>, vector<16xf32>,
        tpu.vector_store %arg10[%swap3A_268, %swap3A_269], %get3A_192 {add = true, strides = array<i32>} : memref<128x64xf32, #tpu.memory_space<vmem>>, vector<16xf32>,
        %swap3A_271 = arith.index_cast %add3A_261 : i32 to index
        %swap3A_272 = arith.constant 48 : index
        %swap3A_273 = tpu.vector_load %arg10[%swap3A_271, %swap3A_272] {strides = array<i32>} : memref<128x64xf32, #tpu.memory_space<vmem>>, vector<16xf32>,
        tpu.vector_store %arg10[%swap3A_271, %swap3A_272], %get3A_195 {add = true, strides = array<i32>} : memref<128x64xf32, #tpu.memory_space<vmem>>, vector<16xf32>,
        %scan3A_274 = arith.constant 2 : i32
        %scan3A_275 = arith.addi %scan3A_240, %scan3A_274 : i32
        %mul3A_276 = arith.constant 1 : i32
        %mul3A_277 = arith.muli %scan3A_275, %mul3A_276 : i32
        %add3A_278 = arith.constant 0 : i32
        %add3A_279 = arith.addi %add3A_278, %mul3A_277 : i32
        %swap3A_280 = arith.index_cast %add3A_279 : i32 to index
        %swap3A_281 = arith.constant 0 : index
        %swap3A_282 = tpu.vector_load %arg10[%swap3A_280, %swap3A_281] {strides = array<i32>} : memref<128x64xf32, #tpu.memory_space<vmem>>, vector<16xf32>,
        tpu.vector_store %arg10[%swap3A_280, %swap3A_281], %get3A_186 {add = true, strides = array<i32>} : memref<128x64xf32, #tpu.memory_space<vmem>>, vector<16xf32>,
        %swap3A_283 = arith.index_cast %add3A_279 : i32 to index
        %swap3A_284 = arith.constant 16 : index
        %swap3A_285 = tpu.vector_load %arg10[%swap3A_283, %swap3A_284] {strides = array<i32>} : memref<128x64xf32, #tpu.memory_space<vmem>>, vector<16xf32>,
        tpu.vector_store %arg10[%swap3A_283, %swap3A_284], %get3A_189 {add = true, strides = array<i32>} : memref<128x64xf32, #tpu.memory_space<vmem>>, vector<16xf32>,
        %swap3A_286 = arith.index_cast %add3A_279 : i32 to index
        %swap3A_287 = arith.constant 32 : index
        %swap3A_288 = tpu.vector_load %arg10[%swap3A_286, %swap3A_287] {strides = array<i32>} : memref<128x64xf32, #tpu.memory_space<vmem>>, vector<16xf32>,
        tpu.vector_store %arg10[%swap3A_286, %swap3A_287], %get3A_192 {add = true, strides = array<i32>} : memref<128x64xf32, #tpu.memory_space<vmem>>, vector<16xf32>,
        %swap3A_289 = arith.index_cast %add3A_279 : i32 to index
        %swap3A_290 = arith.constant 48 : index
        %swap3A_291 = tpu.vector_load %arg10[%swap3A_289, %swap3A_290] {strides = array<i32>} : memref<128x64xf32, #tpu.memory_space<vmem>>, vector<16xf32>,
        tpu.vector_store %arg10[%swap3A_289, %swap3A_290], %get3A_195 {add = true, strides = array<i32>} : memref<128x64xf32, #tpu.memory_space<vmem>>, vector<16xf32>,
        %scan3A_292 = arith.constant 3 : i32
        %scan3A_293 = arith.addi %scan3A_240, %scan3A_292 : i32
        %mul3A_294 = arith.constant 1 : i32
        %mul3A_295 = arith.muli %scan3A_293, %mul3A_294 : i32
        %add3A_296 = arith.constant 0 : i32
        %add3A_297 = arith.addi %add3A_296, %mul3A_295 : i32
        %swap3A_298 = arith.index_cast %add3A_297 : i32 to index
        %swap3A_299 = arith.constant 0 : index
        %swap3A_300 = tpu.vector_load %arg10[%swap3A_298, %swap3A_299] {strides = array<i32>} : memref<128x64xf32, #tpu.memory_space<vmem>>, vector<16xf32>,
        tpu.vector_store %arg10[%swap3A_298, %swap3A_299], %get3A_186 {add = true, strides = array<i32>} : memref<128x64xf32, #tpu.memory_space<vmem>>, vector<16xf32>,
        %swap3A_301 = arith.index_cast %add3A_297 : i32 to index
        %swap3A_302 = arith.constant 16 : index
        %swap3A_303 = tpu.vector_load %arg10[%swap3A_301, %swap3A_302] {strides = array<i32>} : memref<128x64xf32, #tpu.memory_space<vmem>>, vector<16xf32>,
        tpu.vector_store %arg10[%swap3A_301, %swap3A_302], %get3A_189 {add = true, strides = array<i32>} : memref<128x64xf32, #tpu.memory_space<vmem>>, vector<16xf32>,
        %swap3A_304 = arith.index_cast %add3A_297 : i32 to index
        %swap3A_305 = arith.constant 32 : index
        %swap3A_306 = tpu.vector_load %arg10[%swap3A_304, %swap3A_305] {strides = array<i32>} : memref<128x64xf32, #tpu.memory_space<vmem>>, vector<16xf32>,
        tpu.vector_store %arg10[%swap3A_304, %swap3A_305], %get3A_192 {add = true, strides = array<i32>} : memref<128x64xf32, #tpu.memory_space<vmem>>, vector<16xf32>,
        %swap3A_307 = arith.index_cast %add3A_297 : i32 to index
        %swap3A_308 = arith.constant 48 : index
        %swap3A_309 = tpu.vector_load %arg10[%swap3A_307, %swap3A_308] {strides = array<i32>} : memref<128x64xf32, #tpu.memory_space<vmem>>, vector<16xf32>,
        tpu.vector_store %arg10[%swap3A_307, %swap3A_308], %get3A_195 {add = true, strides = array<i32>} : memref<128x64xf32, #tpu.memory_space<vmem>>, vector<16xf32>,
        %scan3A_310 = arith.constant 4 : i32
        %scan3A_311 = arith.addi %scan3A_240, %scan3A_310 : i32
        %mul3A_312 = arith.constant 1 : i32
        %mul3A_313 = arith.muli %scan3A_311, %mul3A_312 : i32
        %add3A_314 = arith.constant 0 : i32
        %add3A_315 = arith.addi %add3A_314, %mul3A_313 : i32
        %swap3A_316 = arith.index_cast %add3A_315 : i32 to index
        %swap3A_317 = arith.constant 0 : index
        %swap3A_318 = tpu.vector_load %arg10[%swap3A_316, %swap3A_317] {strides = array<i32>} : memref<128x64xf32, #tpu.memory_space<vmem>>, vector<16xf32>,
        tpu.vector_store %arg10[%swap3A_316, %swap3A_317], %get3A_186 {add = true, strides = array<i32>} : memref<128x64xf32, #tpu.memory_space<vmem>>, vector<16xf32>,
        %swap3A_319 = arith.index_cast %add3A_315 : i32 to index
        %swap3A_320 = arith.constant 16 : index
        %swap3A_321 = tpu.vector_load %arg10[%swap3A_319, %swap3A_320] {strides = array<i32>} : memref<128x64xf32, #tpu.memory_space<vmem>>, vector<16xf32>,
        tpu.vector_store %arg10[%swap3A_319, %swap3A_320], %get3A_189 {add = true, strides = array<i32>} : memref<128x64xf32, #tpu.memory_space<vmem>>, vector<16xf32>,
        %swap3A_322 = arith.index_cast %add3A_315 : i32 to index
        %swap3A_323 = arith.constant 32 : index
        %swap3A_324 = tpu.vector_load %arg10[%swap3A_322, %swap3A_323] {strides = array<i32>} : memref<128x64xf32, #tpu.memory_space<vmem>>, vector<16xf32>,
        tpu.vector_store %arg10[%swap3A_322, %swap3A_323], %get3A_192 {add = true, strides = array<i32>} : memref<128x64xf32, #tpu.memory_space<vmem>>, vector<16xf32>,
        %swap3A_325 = arith.index_cast %add3A_315 : i32 to index
        %swap3A_326 = arith.constant 48 : index
        %swap3A_327 = tpu.vector_load %arg10[%swap3A_325, %swap3A_326] {strides = array<i32>} : memref<128x64xf32, #tpu.memory_space<vmem>>, vector<16xf32>,
        tpu.vector_store %arg10[%swap3A_325, %swap3A_326], %get3A_195 {add = true, strides = array<i32>} : memref<128x64xf32, #tpu.memory_space<vmem>>, vector<16xf32>,
        %scan3A_328 = arith.constant 5 : i32
        %scan3A_329 = arith.addi %scan3A_240, %scan3A_328 : i32
        %mul3A_330 = arith.constant 1 : i32
        %mul3A_331 = arith.muli %scan3A_329, %mul3A_330 : i32
        %add3A_332 = arith.constant 0 : i32
        %add3A_333 = arith.addi %add3A_332, %mul3A_331 : i32
        %swap3A_334 = arith.index_cast %add3A_333 : i32 to index
        %swap3A_335 = arith.constant 0 : index
        %swap3A_336 = tpu.vector_load %arg10[%swap3A_334, %swap3A_335] {strides = array<i32>} : memref<128x64xf32, #tpu.memory_space<vmem>>, vector<16xf32>,
        tpu.vector_store %arg10[%swap3A_334, %swap3A_335], %get3A_186 {add = true, strides = array<i32>} : memref<128x64xf32, #tpu.memory_space<vmem>>, vector<16xf32>,
        %swap3A_337 = arith.index_cast %add3A_333 : i32 to index
        %swap3A_338 = arith.constant 16 : index
        %swap3A_339 = tpu.vector_load %arg10[%swap3A_337, %swap3A_338] {strides = array<i32>} : memref<128x64xf32, #tpu.memory_space<vmem>>, vector<16xf32>,
        tpu.vector_store %arg10[%swap3A_337, %swap3A_338], %get3A_189 {add = true, strides = array<i32>} : memref<128x64xf32, #tpu.memory_space<vmem>>, vector<16xf32>,
        %swap3A_340 = arith.index_cast %add3A_333 : i32 to index
        %swap3A_341 = arith.constant 32 : index
        %swap3A_342 = tpu.vector_load %arg10[%swap3A_340, %swap3A_341] {strides = array<i32>} : memref<128x64xf32, #tpu.memory_space<vmem>>, vector<16xf32>,
        tpu.vector_store %arg10[%swap3A_340, %swap3A_341], %get3A_192 {add = true, strides = array<i32>} : memref<128x64xf32, #tpu.memory_space<vmem>>, vector<16xf32>,
        %swap3A_343 = arith.index_cast %add3A_333 : i32 to index
        %swap3A_344 = arith.constant 48 : index
        %swap3A_345 = tpu.vector_load %arg10[%swap3A_343, %swap3A_344] {strides = array<i32>} : memref<128x64xf32, #tpu.memory_space<vmem>>, vector<16xf32>,
        tpu.vector_store %arg10[%swap3A_343, %swap3A_344], %get3A_195 {add = true, strides = array<i32>} : memref<128x64xf32, #tpu.memory_space<vmem>>, vector<16xf32>,
        %scan3A_346 = arith.constant 6 : i32
        %scan3A_347 = arith.addi %scan3A_240, %scan3A_346 : i32
        %mul3A_348 = arith.constant 1 : i32
        %mul3A_349 = arith.muli %scan3A_347, %mul3A_348 : i32
        %add3A_350 = arith.constant 0 : i32
        %add3A_351 = arith.addi %add3A_350, %mul3A_349 : i32
        %swap3A_352 = arith.index_cast %add3A_351 : i32 to index
        %swap3A_353 = arith.constant 0 : index
        %swap3A_354 = tpu.vector_load %arg10[%swap3A_352, %swap3A_353] {strides = array<i32>} : memref<128x64xf32, #tpu.memory_space<vmem>>, vector<16xf32>,
        tpu.vector_store %arg10[%swap3A_352, %swap3A_353], %get3A_186 {add = true, strides = array<i32>} : memref<128x64xf32, #tpu.memory_space<vmem>>, vector<16xf32>,
        %swap3A_355 = arith.index_cast %add3A_351 : i32 to index
        %swap3A_356 = arith.constant 16 : index
        %swap3A_357 = tpu.vector_load %arg10[%swap3A_355, %swap3A_356] {strides = array<i32>} : memref<128x64xf32, #tpu.memory_space<vmem>>, vector<16xf32>,
        tpu.vector_store %arg10[%swap3A_355, %swap3A_356], %get3A_189 {add = true, strides = array<i32>} : memref<128x64xf32, #tpu.memory_space<vmem>>, vector<16xf32>,
        %swap3A_358 = arith.index_cast %add3A_351 : i32 to index
        %swap3A_359 = arith.constant 32 : index
        %swap3A_360 = tpu.vector_load %arg10[%swap3A_358, %swap3A_359] {strides = array<i32>} : memref<128x64xf32, #tpu.memory_space<vmem>>, vector<16xf32>,
        tpu.vector_store %arg10[%swap3A_358, %swap3A_359], %get3A_192 {add = true, strides = array<i32>} : memref<128x64xf32, #tpu.memory_space<vmem>>, vector<16xf32>,
        %swap3A_361 = arith.index_cast %add3A_351 : i32 to index
        %swap3A_362 = arith.constant 48 : index
        %swap3A_363 = tpu.vector_load %arg10[%swap3A_361, %swap3A_362] {strides = array<i32>} : memref<128x64xf32, #tpu.memory_space<vmem>>, vector<16xf32>,
        tpu.vector_store %arg10[%swap3A_361, %swap3A_362], %get3A_195 {add = true, strides = array<i32>} : memref<128x64xf32, #tpu.memory_space<vmem>>, vector<16xf32>,
        %scan3A_364 = arith.constant 7 : i32
        %scan3A_365 = arith.addi %scan3A_240, %scan3A_364 : i32
        %mul3A_366 = arith.constant 1 : i32
        %mul3A_367 = arith.muli %scan3A_365, %mul3A_366 : i32
        %add3A_368 = arith.constant 0 : i32
        %add3A_369 = arith.addi %add3A_368, %mul3A_367 : i32
        %swap3A_370 = arith.index_cast %add3A_369 : i32 to index
        %swap3A_371 = arith.constant 0 : index
        %swap3A_372 = tpu.vector_load %arg10[%swap3A_370, %swap3A_371] {strides = array<i32>} : memref<128x64xf32, #tpu.memory_space<vmem>>, vector<16xf32>,
        tpu.vector_store %arg10[%swap3A_370, %swap3A_371], %get3A_186 {add = true, strides = array<i32>} : memref<128x64xf32, #tpu.memory_space<vmem>>, vector<16xf32>,
        %swap3A_373 = arith.index_cast %add3A_369 : i32 to index
        %swap3A_374 = arith.constant 16 : index
        %swap3A_375 = tpu.vector_load %arg10[%swap3A_373, %swap3A_374] {strides = array<i32>} : memref<128x64xf32, #tpu.memory_space<vmem>>, vector<16xf32>,
        tpu.vector_store %arg10[%swap3A_373, %swap3A_374], %get3A_189 {add = true, strides = array<i32>} : memref<128x64xf32, #tpu.memory_space<vmem>>, vector<16xf32>,
        %swap3A_376 = arith.index_cast %add3A_369 : i32 to index
        %swap3A_377 = arith.constant 32 : index
        %swap3A_378 = tpu.vector_load %arg10[%swap3A_376, %swap3A_377] {strides = array<i32>} : memref<128x64xf32, #tpu.memory_space<vmem>>, vector<16xf32>,
        tpu.vector_store %arg10[%swap3A_376, %swap3A_377], %get3A_192 {add = true, strides = array<i32>} : memref<128x64xf32, #tpu.memory_space<vmem>>, vector<16xf32>,
        %swap3A_379 = arith.index_cast %add3A_369 : i32 to index
        %swap3A_380 = arith.constant 48 : index
        %swap3A_381 = tpu.vector_load %arg10[%swap3A_379, %swap3A_380] {strides = array<i32>} : memref<128x64xf32, #tpu.memory_space<vmem>>, vector<16xf32>,
        tpu.vector_store %arg10[%swap3A_379, %swap3A_380], %get3A_195 {add = true, strides = array<i32>} : memref<128x64xf32, #tpu.memory_space<vmem>>, vector<16xf32>,
      }
      %scan3A_200 = arith.constant 128 : i32
      %dma_start3A_201 = arith.constant 0 : i32
      %dma_start3A_202 = tpu.memref_slice %arg5[%mul3A_2, %add3A_177, %dma_start3A_201] : memref<4096x200x64xf32, #tpu.memory_space<hbm>> -> memref<128x1x64xf32, #tpu.memory_space<hbm>>
      %dma_start3A_203 = tpu.memref_squeeze %dma_start3A_202 : memref<128x1x64xf32, #tpu.memory_space<hbm>> -> memref<128x64xf32, #tpu.memory_space<hbm>>
      %dma_start3A_204 = arith.constant 0 : i32
      %dma_start3A_205 = tpu.memref_slice %arg5[%mul3A_2, %add3A_177, %dma_start3A_204] : memref<4096x200x64xf32, #tpu.memory_space<hbm>> -> memref<128x1x64xf32, #tpu.memory_space<hbm>>
      %dma_start3A_206 = tpu.memref_squeeze %dma_start3A_205 : memref<128x1x64xf32, #tpu.memory_space<hbm>> -> memref<128x64xf32, #tpu.memory_space<hbm>>
      tpu.enqueue_dma source(%arg10 : memref<128x64xf32, #tpu.memory_space<vmem>>) target(%dma_start3A_206 : memref<128x64xf32, #tpu.memory_space<hbm>>) target_semaphore(%arg18 : memref<!tpu.dma_semaphore, #tpu.memory_space<semaphore_mem>>)
      %mul3A_207 = arith.constant 4 : i32
      %mul3A_208 = arith.muli %add3A_38, %mul3A_207 : i32
      %add3A_209 = arith.constant 3 : i32
      %add3A_210 = arith.addi %mul3A_208, %add3A_209 : i32
      %dma_wait3A_211 = arith.constant 0 : i32
      %dma_wait3A_212 = tpu.memref_slice %arg6[%div3A_100, %rem3A_102, %dma_wait3A_211] : memref<25x8x128xi32, #tpu.memory_space<vmem>> -> memref<1x1x128xi32, #tpu.memory_space<vmem>>
      %dma_wait3A_213 = tpu.memref_squeeze %dma_wait3A_212 : memref<1x1x128xi32, #tpu.memory_space<vmem>> -> memref<128xi32, #tpu.memory_space<vmem>>
      %dma_wait3A_214 = arith.constant 0 : i32
      %dma_wait3A_215 = arith.constant 0 : i32
      %dma_wait3A_216 = tpu.memref_slice %arg3[%dma_wait3A_214, %dma_wait3A_215] : memref<1000000x64xf32, #tpu.memory_space<hbm>> -> memref<1000000x64xf32, #tpu.memory_space<hbm>>
      tpu.wait_indirect_dma semaphore(%arg15 : memref<!tpu.dma_semaphore, #tpu.memory_space<semaphore_mem>>) src(%dma_wait3A_216 : memref<1000000x64xf32, #tpu.memory_space<hbm>>) dst(%arg11 : memref<128x64xf32, #tpu.memory_space<vmem>>)
      %get3A_217 = arith.index_cast %add3A_210 : i32 to index
      %get3A_218 = arith.constant 0 : index
      %get3A_219 = tpu.vector_load %arg7[%get3A_217, %get3A_218] {strides = array<i32>} : memref<200x64xf32, #tpu.memory_space<vmem>>, vector<16xf32>,
      %get3A_220 = arith.index_cast %add3A_210 : i32 to index
      %get3A_221 = arith.constant 16 : index
      %get3A_222 = tpu.vector_load %arg7[%get3A_220, %get3A_221] {strides = array<i32>} : memref<200x64xf32, #tpu.memory_space<vmem>>, vector<16xf32>,
      %get3A_223 = arith.index_cast %add3A_210 : i32 to index
      %get3A_224 = arith.constant 32 : index
      %get3A_225 = tpu.vector_load %arg7[%get3A_223, %get3A_224] {strides = array<i32>} : memref<200x64xf32, #tpu.memory_space<vmem>>, vector<16xf32>,
      %get3A_226 = arith.index_cast %add3A_210 : i32 to index
      %get3A_227 = arith.constant 48 : index
      %get3A_228 = tpu.vector_load %arg7[%get3A_226, %get3A_227] {strides = array<i32>} : memref<200x64xf32, #tpu.memory_space<vmem>>, vector<16xf32>,
      %scan3A_229 = arith.constant 0 : i32
      %scan3A_230 = arith.constant 128 : i32
      %scan3A_231 = arith.addi %scan3A_229, %scan3A_230 : i32
      %scan3A_232 = arith.constant 8 : i32
      scf.for %scan3A_240 = %scan3A_229 to %scan3A_231 step %scan3A_232  : i32 {
        %mul3A_241 = arith.constant 1 : i32
        %mul3A_242 = arith.muli %scan3A_240, %mul3A_241 : i32
        %add3A_243 = arith.constant 0 : i32
        %add3A_244 = arith.addi %add3A_243, %mul3A_242 : i32
        %swap3A = arith.index_cast %add3A_244 : i32 to index
        %swap3A_245 = arith.constant 0 : index
        %swap3A_246 = tpu.vector_load %arg11[%swap3A, %swap3A_245] {strides = array<i32>} : memref<128x64xf32, #tpu.memory_space<vmem>>, vector<16xf32>,
        tpu.vector_store %arg11[%swap3A, %swap3A_245], %get3A_219 {add = true, strides = array<i32>} : memref<128x64xf32, #tpu.memory_space<vmem>>, vector<16xf32>,
        %swap3A_247 = arith.index_cast %add3A_244 : i32 to index
        %swap3A_248 = arith.constant 16 : index
        %swap3A_249 = tpu.vector_load %arg11[%swap3A_247, %swap3A_248] {strides = array<i32>} : memref<128x64xf32, #tpu.memory_space<vmem>>, vector<16xf32>,
        tpu.vector_store %arg11[%swap3A_247, %swap3A_248], %get3A_222 {add = true, strides = array<i32>} : memref<128x64xf32, #tpu.memory_space<vmem>>, vector<16xf32>,
        %swap3A_250 = arith.index_cast %add3A_244 : i32 to index
        %swap3A_251 = arith.constant 32 : index
        %swap3A_252 = tpu.vector_load %arg11[%swap3A_250, %swap3A_251] {strides = array<i32>} : memref<128x64xf32, #tpu.memory_space<vmem>>, vector<16xf32>,
        tpu.vector_store %arg11[%swap3A_250, %swap3A_251], %get3A_225 {add = true, strides = array<i32>} : memref<128x64xf32, #tpu.memory_space<vmem>>, vector<16xf32>,
        %swap3A_253 = arith.index_cast %add3A_244 : i32 to index
        %swap3A_254 = arith.constant 48 : index
        %swap3A_255 = tpu.vector_load %arg11[%swap3A_253, %swap3A_254] {strides = array<i32>} : memref<128x64xf32, #tpu.memory_space<vmem>>, vector<16xf32>,
        tpu.vector_store %arg11[%swap3A_253, %swap3A_254], %get3A_228 {add = true, strides = array<i32>} : memref<128x64xf32, #tpu.memory_space<vmem>>, vector<16xf32>,
        %scan3A_256 = arith.constant 1 : i32
        %scan3A_257 = arith.addi %scan3A_240, %scan3A_256 : i32
        %mul3A_258 = arith.constant 1 : i32
        %mul3A_259 = arith.muli %scan3A_257, %mul3A_258 : i32
        %add3A_260 = arith.constant 0 : i32
        %add3A_261 = arith.addi %add3A_260, %mul3A_259 : i32
        %swap3A_262 = arith.index_cast %add3A_261 : i32 to index
        %swap3A_263 = arith.constant 0 : index
        %swap3A_264 = tpu.vector_load %arg11[%swap3A_262, %swap3A_263] {strides = array<i32>} : memref<128x64xf32, #tpu.memory_space<vmem>>, vector<16xf32>,
        tpu.vector_store %arg11[%swap3A_262, %swap3A_263], %get3A_219 {add = true, strides = array<i32>} : memref<128x64xf32, #tpu.memory_space<vmem>>, vector<16xf32>,
        %swap3A_265 = arith.index_cast %add3A_261 : i32 to index
        %swap3A_266 = arith.constant 16 : index
        %swap3A_267 = tpu.vector_load %arg11[%swap3A_265, %swap3A_266] {strides = array<i32>} : memref<128x64xf32, #tpu.memory_space<vmem>>, vector<16xf32>,
        tpu.vector_store %arg11[%swap3A_265, %swap3A_266], %get3A_222 {add = true, strides = array<i32>} : memref<128x64xf32, #tpu.memory_space<vmem>>, vector<16xf32>,
        %swap3A_268 = arith.index_cast %add3A_261 : i32 to index
        %swap3A_269 = arith.constant 32 : index
        %swap3A_270 = tpu.vector_load %arg11[%swap3A_268, %swap3A_269] {strides = array<i32>} : memref<128x64xf32, #tpu.memory_space<vmem>>, vector<16xf32>,
        tpu.vector_store %arg11[%swap3A_268, %swap3A_269], %get3A_225 {add = true, strides = array<i32>} : memref<128x64xf32, #tpu.memory_space<vmem>>, vector<16xf32>,
        %swap3A_271 = arith.index_cast %add3A_261 : i32 to index
        %swap3A_272 = arith.constant 48 : index
        %swap3A_273 = tpu.vector_load %arg11[%swap3A_271, %swap3A_272] {strides = array<i32>} : memref<128x64xf32, #tpu.memory_space<vmem>>, vector<16xf32>,
        tpu.vector_store %arg11[%swap3A_271, %swap3A_272], %get3A_228 {add = true, strides = array<i32>} : memref<128x64xf32, #tpu.memory_space<vmem>>, vector<16xf32>,
        %scan3A_274 = arith.constant 2 : i32
        %scan3A_275 = arith.addi %scan3A_240, %scan3A_274 : i32
        %mul3A_276 = arith.constant 1 : i32
        %mul3A_277 = arith.muli %scan3A_275, %mul3A_276 : i32
        %add3A_278 = arith.constant 0 : i32
        %add3A_279 = arith.addi %add3A_278, %mul3A_277 : i32
        %swap3A_280 = arith.index_cast %add3A_279 : i32 to index
        %swap3A_281 = arith.constant 0 : index
        %swap3A_282 = tpu.vector_load %arg11[%swap3A_280, %swap3A_281] {strides = array<i32>} : memref<128x64xf32, #tpu.memory_space<vmem>>, vector<16xf32>,
        tpu.vector_store %arg11[%swap3A_280, %swap3A_281], %get3A_219 {add = true, strides = array<i32>} : memref<128x64xf32, #tpu.memory_space<vmem>>, vector<16xf32>,
        %swap3A_283 = arith.index_cast %add3A_279 : i32 to index
        %swap3A_284 = arith.constant 16 : index
        %swap3A_285 = tpu.vector_load %arg11[%swap3A_283, %swap3A_284] {strides = array<i32>} : memref<128x64xf32, #tpu.memory_space<vmem>>, vector<16xf32>,
        tpu.vector_store %arg11[%swap3A_283, %swap3A_284], %get3A_222 {add = true, strides = array<i32>} : memref<128x64xf32, #tpu.memory_space<vmem>>, vector<16xf32>,
        %swap3A_286 = arith.index_cast %add3A_279 : i32 to index
        %swap3A_287 = arith.constant 32 : index
        %swap3A_288 = tpu.vector_load %arg11[%swap3A_286, %swap3A_287] {strides = array<i32>} : memref<128x64xf32, #tpu.memory_space<vmem>>, vector<16xf32>,
        tpu.vector_store %arg11[%swap3A_286, %swap3A_287], %get3A_225 {add = true, strides = array<i32>} : memref<128x64xf32, #tpu.memory_space<vmem>>, vector<16xf32>,
        %swap3A_289 = arith.index_cast %add3A_279 : i32 to index
        %swap3A_290 = arith.constant 48 : index
        %swap3A_291 = tpu.vector_load %arg11[%swap3A_289, %swap3A_290] {strides = array<i32>} : memref<128x64xf32, #tpu.memory_space<vmem>>, vector<16xf32>,
        tpu.vector_store %arg11[%swap3A_289, %swap3A_290], %get3A_228 {add = true, strides = array<i32>} : memref<128x64xf32, #tpu.memory_space<vmem>>, vector<16xf32>,
        %scan3A_292 = arith.constant 3 : i32
        %scan3A_293 = arith.addi %scan3A_240, %scan3A_292 : i32
        %mul3A_294 = arith.constant 1 : i32
        %mul3A_295 = arith.muli %scan3A_293, %mul3A_294 : i32
        %add3A_296 = arith.constant 0 : i32
        %add3A_297 = arith.addi %add3A_296, %mul3A_295 : i32
        %swap3A_298 = arith.index_cast %add3A_297 : i32 to index
        %swap3A_299 = arith.constant 0 : index
        %swap3A_300 = tpu.vector_load %arg11[%swap3A_298, %swap3A_299] {strides = array<i32>} : memref<128x64xf32, #tpu.memory_space<vmem>>, vector<16xf32>,
        tpu.vector_store %arg11[%swap3A_298, %swap3A_299], %get3A_219 {add = true, strides = array<i32>} : memref<128x64xf32, #tpu.memory_space<vmem>>, vector<16xf32>,
        %swap3A_301 = arith.index_cast %add3A_297 : i32 to index
        %swap3A_302 = arith.constant 16 : index
        %swap3A_303 = tpu.vector_load %arg11[%swap3A_301, %swap3A_302] {strides = array<i32>} : memref<128x64xf32, #tpu.memory_space<vmem>>, vector<16xf32>,
        tpu.vector_store %arg11[%swap3A_301, %swap3A_302], %get3A_222 {add = true, strides = array<i32>} : memref<128x64xf32, #tpu.memory_space<vmem>>, vector<16xf32>,
        %swap3A_304 = arith.index_cast %add3A_297 : i32 to index
        %swap3A_305 = arith.constant 32 : index
        %swap3A_306 = tpu.vector_load %arg11[%swap3A_304, %swap3A_305] {strides = array<i32>} : memref<128x64xf32, #tpu.memory_space<vmem>>, vector<16xf32>,
        tpu.vector_store %arg11[%swap3A_304, %swap3A_305], %get3A_225 {add = true, strides = array<i32>} : memref<128x64xf32, #tpu.memory_space<vmem>>, vector<16xf32>,
        %swap3A_307 = arith.index_cast %add3A_297 : i32 to index
        %swap3A_308 = arith.constant 48 : index
        %swap3A_309 = tpu.vector_load %arg11[%swap3A_307, %swap3A_308] {strides = array<i32>} : memref<128x64xf32, #tpu.memory_space<vmem>>, vector<16xf32>,
        tpu.vector_store %arg11[%swap3A_307, %swap3A_308], %get3A_228 {add = true, strides = array<i32>} : memref<128x64xf32, #tpu.memory_space<vmem>>, vector<16xf32>,
        %scan3A_310 = arith.constant 4 : i32
        %scan3A_311 = arith.addi %scan3A_240, %scan3A_310 : i32
        %mul3A_312 = arith.constant 1 : i32
        %mul3A_313 = arith.muli %scan3A_311, %mul3A_312 : i32
        %add3A_314 = arith.constant 0 : i32
        %add3A_315 = arith.addi %add3A_314, %mul3A_313 : i32
        %swap3A_316 = arith.index_cast %add3A_315 : i32 to index
        %swap3A_317 = arith.constant 0 : index
        %swap3A_318 = tpu.vector_load %arg11[%swap3A_316, %swap3A_317] {strides = array<i32>} : memref<128x64xf32, #tpu.memory_space<vmem>>, vector<16xf32>,
        tpu.vector_store %arg11[%swap3A_316, %swap3A_317], %get3A_219 {add = true, strides = array<i32>} : memref<128x64xf32, #tpu.memory_space<vmem>>, vector<16xf32>,
        %swap3A_319 = arith.index_cast %add3A_315 : i32 to index
        %swap3A_320 = arith.constant 16 : index
        %swap3A_321 = tpu.vector_load %arg11[%swap3A_319, %swap3A_320] {strides = array<i32>} : memref<128x64xf32, #tpu.memory_space<vmem>>, vector<16xf32>,
        tpu.vector_store %arg11[%swap3A_319, %swap3A_320], %get3A_222 {add = true, strides = array<i32>} : memref<128x64xf32, #tpu.memory_space<vmem>>, vector<16xf32>,
        %swap3A_322 = arith.index_cast %add3A_315 : i32 to index
        %swap3A_323 = arith.constant 32 : index
        %swap3A_324 = tpu.vector_load %arg11[%swap3A_322, %swap3A_323] {strides = array<i32>} : memref<128x64xf32, #tpu.memory_space<vmem>>, vector<16xf32>,
        tpu.vector_store %arg11[%swap3A_322, %swap3A_323], %get3A_225 {add = true, strides = array<i32>} : memref<128x64xf32, #tpu.memory_space<vmem>>, vector<16xf32>,
        %swap3A_325 = arith.index_cast %add3A_315 : i32 to index
        %swap3A_326 = arith.constant 48 : index
        %swap3A_327 = tpu.vector_load %arg11[%swap3A_325, %swap3A_326] {strides = array<i32>} : memref<128x64xf32, #tpu.memory_space<vmem>>, vector<16xf32>,
        tpu.vector_store %arg11[%swap3A_325, %swap3A_326], %get3A_228 {add = true, strides = array<i32>} : memref<128x64xf32, #tpu.memory_space<vmem>>, vector<16xf32>,
        %scan3A_328 = arith.constant 5 : i32
        %scan3A_329 = arith.addi %scan3A_240, %scan3A_328 : i32
        %mul3A_330 = arith.constant 1 : i32
        %mul3A_331 = arith.muli %scan3A_329, %mul3A_330 : i32
        %add3A_332 = arith.constant 0 : i32
        %add3A_333 = arith.addi %add3A_332, %mul3A_331 : i32
        %swap3A_334 = arith.index_cast %add3A_333 : i32 to index
        %swap3A_335 = arith.constant 0 : index
        %swap3A_336 = tpu.vector_load %arg11[%swap3A_334, %swap3A_335] {strides = array<i32>} : memref<128x64xf32, #tpu.memory_space<vmem>>, vector<16xf32>,
        tpu.vector_store %arg11[%swap3A_334, %swap3A_335], %get3A_219 {add = true, strides = array<i32>} : memref<128x64xf32, #tpu.memory_space<vmem>>, vector<16xf32>,
        %swap3A_337 = arith.index_cast %add3A_333 : i32 to index
        %swap3A_338 = arith.constant 16 : index
        %swap3A_339 = tpu.vector_load %arg11[%swap3A_337, %swap3A_338] {strides = array<i32>} : memref<128x64xf32, #tpu.memory_space<vmem>>, vector<16xf32>,
        tpu.vector_store %arg11[%swap3A_337, %swap3A_338], %get3A_222 {add = true, strides = array<i32>} : memref<128x64xf32, #tpu.memory_space<vmem>>, vector<16xf32>,
        %swap3A_340 = arith.index_cast %add3A_333 : i32 to index
        %swap3A_341 = arith.constant 32 : index
        %swap3A_342 = tpu.vector_load %arg11[%swap3A_340, %swap3A_341] {strides = array<i32>} : memref<128x64xf32, #tpu.memory_space<vmem>>, vector<16xf32>,
        tpu.vector_store %arg11[%swap3A_340, %swap3A_341], %get3A_225 {add = true, strides = array<i32>} : memref<128x64xf32, #tpu.memory_space<vmem>>, vector<16xf32>,
        %swap3A_343 = arith.index_cast %add3A_333 : i32 to index
        %swap3A_344 = arith.constant 48 : index
        %swap3A_345 = tpu.vector_load %arg11[%swap3A_343, %swap3A_344] {strides = array<i32>} : memref<128x64xf32, #tpu.memory_space<vmem>>, vector<16xf32>,
        tpu.vector_store %arg11[%swap3A_343, %swap3A_344], %get3A_228 {add = true, strides = array<i32>} : memref<128x64xf32, #tpu.memory_space<vmem>>, vector<16xf32>,
        %scan3A_346 = arith.constant 6 : i32
        %scan3A_347 = arith.addi %scan3A_240, %scan3A_346 : i32
        %mul3A_348 = arith.constant 1 : i32
        %mul3A_349 = arith.muli %scan3A_347, %mul3A_348 : i32
        %add3A_350 = arith.constant 0 : i32
        %add3A_351 = arith.addi %add3A_350, %mul3A_349 : i32
        %swap3A_352 = arith.index_cast %add3A_351 : i32 to index
        %swap3A_353 = arith.constant 0 : index
        %swap3A_354 = tpu.vector_load %arg11[%swap3A_352, %swap3A_353] {strides = array<i32>} : memref<128x64xf32, #tpu.memory_space<vmem>>, vector<16xf32>,
        tpu.vector_store %arg11[%swap3A_352, %swap3A_353], %get3A_219 {add = true, strides = array<i32>} : memref<128x64xf32, #tpu.memory_space<vmem>>, vector<16xf32>,
        %swap3A_355 = arith.index_cast %add3A_351 : i32 to index
        %swap3A_356 = arith.constant 16 : index
        %swap3A_357 = tpu.vector_load %arg11[%swap3A_355, %swap3A_356] {strides = array<i32>} : memref<128x64xf32, #tpu.memory_space<vmem>>, vector<16xf32>,
        tpu.vector_store %arg11[%swap3A_355, %swap3A_356], %get3A_222 {add = true, strides = array<i32>} : memref<128x64xf32, #tpu.memory_space<vmem>>, vector<16xf32>,
        %swap3A_358 = arith.index_cast %add3A_351 : i32 to index
        %swap3A_359 = arith.constant 32 : index
        %swap3A_360 = tpu.vector_load %arg11[%swap3A_358, %swap3A_359] {strides = array<i32>} : memref<128x64xf32, #tpu.memory_space<vmem>>, vector<16xf32>,
        tpu.vector_store %arg11[%swap3A_358, %swap3A_359], %get3A_225 {add = true, strides = array<i32>} : memref<128x64xf32, #tpu.memory_space<vmem>>, vector<16xf32>,
        %swap3A_361 = arith.index_cast %add3A_351 : i32 to index
        %swap3A_362 = arith.constant 48 : index
        %swap3A_363 = tpu.vector_load %arg11[%swap3A_361, %swap3A_362] {strides = array<i32>} : memref<128x64xf32, #tpu.memory_space<vmem>>, vector<16xf32>,
        tpu.vector_store %arg11[%swap3A_361, %swap3A_362], %get3A_228 {add = true, strides = array<i32>} : memref<128x64xf32, #tpu.memory_space<vmem>>, vector<16xf32>,
        %scan3A_364 = arith.constant 7 : i32
        %scan3A_365 = arith.addi %scan3A_240, %scan3A_364 : i32
        %mul3A_366 = arith.constant 1 : i32
        %mul3A_367 = arith.muli %scan3A_365, %mul3A_366 : i32
        %add3A_368 = arith.constant 0 : i32
        %add3A_369 = arith.addi %add3A_368, %mul3A_367 : i32
        %swap3A_370 = arith.index_cast %add3A_369 : i32 to index
        %swap3A_371 = arith.constant 0 : index
        %swap3A_372 = tpu.vector_load %arg11[%swap3A_370, %swap3A_371] {strides = array<i32>} : memref<128x64xf32, #tpu.memory_space<vmem>>, vector<16xf32>,
        tpu.vector_store %arg11[%swap3A_370, %swap3A_371], %get3A_219 {add = true, strides = array<i32>} : memref<128x64xf32, #tpu.memory_space<vmem>>, vector<16xf32>,
        %swap3A_373 = arith.index_cast %add3A_369 : i32 to index
        %swap3A_374 = arith.constant 16 : index
        %swap3A_375 = tpu.vector_load %arg11[%swap3A_373, %swap3A_374] {strides = array<i32>} : memref<128x64xf32, #tpu.memory_space<vmem>>, vector<16xf32>,
        tpu.vector_store %arg11[%swap3A_373, %swap3A_374], %get3A_222 {add = true, strides = array<i32>} : memref<128x64xf32, #tpu.memory_space<vmem>>, vector<16xf32>,
        %swap3A_376 = arith.index_cast %add3A_369 : i32 to index
        %swap3A_377 = arith.constant 32 : index
        %swap3A_378 = tpu.vector_load %arg11[%swap3A_376, %swap3A_377] {strides = array<i32>} : memref<128x64xf32, #tpu.memory_space<vmem>>, vector<16xf32>,
        tpu.vector_store %arg11[%swap3A_376, %swap3A_377], %get3A_225 {add = true, strides = array<i32>} : memref<128x64xf32, #tpu.memory_space<vmem>>, vector<16xf32>,
        %swap3A_379 = arith.index_cast %add3A_369 : i32 to index
        %swap3A_380 = arith.constant 48 : index
        %swap3A_381 = tpu.vector_load %arg11[%swap3A_379, %swap3A_380] {strides = array<i32>} : memref<128x64xf32, #tpu.memory_space<vmem>>, vector<16xf32>,
        tpu.vector_store %arg11[%swap3A_379, %swap3A_380], %get3A_228 {add = true, strides = array<i32>} : memref<128x64xf32, #tpu.memory_space<vmem>>, vector<16xf32>,
      }
      %scan3A_233 = arith.constant 128 : i32
      %dma_start3A_234 = arith.constant 0 : i32
      %dma_start3A_235 = tpu.memref_slice %arg5[%mul3A_2, %add3A_210, %dma_start3A_234] : memref<4096x200x64xf32, #tpu.memory_space<hbm>> -> memref<128x1x64xf32, #tpu.memory_space<hbm>>
      %dma_start3A_236 = tpu.memref_squeeze %dma_start3A_235 : memref<128x1x64xf32, #tpu.memory_space<hbm>> -> memref<128x64xf32, #tpu.memory_space<hbm>>
      %dma_start3A_237 = arith.constant 0 : i32
      %dma_start3A_238 = tpu.memref_slice %arg5[%mul3A_2, %add3A_210, %dma_start3A_237] : memref<4096x200x64xf32, #tpu.memory_space<hbm>> -> memref<128x1x64xf32, #tpu.memory_space<hbm>>
      %dma_start3A_239 = tpu.memref_squeeze %dma_start3A_238 : memref<128x1x64xf32, #tpu.memory_space<hbm>> -> memref<128x64xf32, #tpu.memory_space<hbm>>
      tpu.enqueue_dma source(%arg11 : memref<128x64xf32, #tpu.memory_space<vmem>>) target(%dma_start3A_239 : memref<128x64xf32, #tpu.memory_space<hbm>>) target_semaphore(%arg19 : memref<!tpu.dma_semaphore, #tpu.memory_space<semaphore_mem>>)
    }
    %scan3A_6 = arith.constant 50 : i32
    %dma_wait3A = arith.constant 0 : i32
    %dma_wait3A_7 = arith.constant 0 : i32
    %dma_wait3A_8 = tpu.memref_slice %arg5[%mul3A_2, %dma_wait3A, %dma_wait3A_7] : memref<4096x200x64xf32, #tpu.memory_space<hbm>> -> memref<128x1x64xf32, #tpu.memory_space<hbm>>
    %dma_wait3A_9 = tpu.memref_squeeze %dma_wait3A_8 : memref<128x1x64xf32, #tpu.memory_space<hbm>> -> memref<128x64xf32, #tpu.memory_space<hbm>>
    %dma_wait3A_10 = arith.constant 0 : i32
    %dma_wait3A_11 = tpu.memref_slice %arg5[%mul3A_2, %dma_wait3A, %dma_wait3A_10] : memref<4096x200x64xf32, #tpu.memory_space<hbm>> -> memref<128x1x64xf32, #tpu.memory_space<hbm>>
    %dma_wait3A_12 = tpu.memref_squeeze %dma_wait3A_11 : memref<128x1x64xf32, #tpu.memory_space<hbm>> -> memref<128x64xf32, #tpu.memory_space<hbm>>
    tpu.wait_dma2 semaphore(%arg16 : memref<!tpu.dma_semaphore, #tpu.memory_space<semaphore_mem>>) src(%arg8 : memref<128x64xf32, #tpu.memory_space<vmem>>) dst(%dma_wait3A_12 : memref<128x64xf32, #tpu.memory_space<hbm>>)
    %dma_wait3A_13 = arith.constant 0 : i32
    %dma_wait3A_14 = arith.constant 0 : i32
    %dma_wait3A_15 = tpu.memref_slice %arg5[%mul3A_2, %dma_wait3A_13, %dma_wait3A_14] : memref<4096x200x64xf32, #tpu.memory_space<hbm>> -> memref<128x1x64xf32, #tpu.memory_space<hbm>>
    %dma_wait3A_16 = tpu.memref_squeeze %dma_wait3A_15 : memref<128x1x64xf32, #tpu.memory_space<hbm>> -> memref<128x64xf32, #tpu.memory_space<hbm>>
    %dma_wait3A_17 = arith.constant 0 : i32
    %dma_wait3A_18 = tpu.memref_slice %arg5[%mul3A_2, %dma_wait3A_13, %dma_wait3A_17] : memref<4096x200x64xf32, #tpu.memory_space<hbm>> -> memref<128x1x64xf32, #tpu.memory_space<hbm>>
    %dma_wait3A_19 = tpu.memref_squeeze %dma_wait3A_18 : memref<128x1x64xf32, #tpu.memory_space<hbm>> -> memref<128x64xf32, #tpu.memory_space<hbm>>
    tpu.wait_dma2 semaphore(%arg17 : memref<!tpu.dma_semaphore, #tpu.memory_space<semaphore_mem>>) src(%arg9 : memref<128x64xf32, #tpu.memory_space<vmem>>) dst(%dma_wait3A_19 : memref<128x64xf32, #tpu.memory_space<hbm>>)
    %dma_wait3A_20 = arith.constant 0 : i32
    %dma_wait3A_21 = arith.constant 0 : i32
    %dma_wait3A_22 = tpu.memref_slice %arg5[%mul3A_2, %dma_wait3A_20, %dma_wait3A_21] : memref<4096x200x64xf32, #tpu.memory_space<hbm>> -> memref<128x1x64xf32, #tpu.memory_space<hbm>>
    %dma_wait3A_23 = tpu.memref_squeeze %dma_wait3A_22 : memref<128x1x64xf32, #tpu.memory_space<hbm>> -> memref<128x64xf32, #tpu.memory_space<hbm>>
    %dma_wait3A_24 = arith.constant 0 : i32
    %dma_wait3A_25 = tpu.memref_slice %arg5[%mul3A_2, %dma_wait3A_20, %dma_wait3A_24] : memref<4096x200x64xf32, #tpu.memory_space<hbm>> -> memref<128x1x64xf32, #tpu.memory_space<hbm>>
    %dma_wait3A_26 = tpu.memref_squeeze %dma_wait3A_25 : memref<128x1x64xf32, #tpu.memory_space<hbm>> -> memref<128x64xf32, #tpu.memory_space<hbm>>
    tpu.wait_dma2 semaphore(%arg18 : memref<!tpu.dma_semaphore, #tpu.memory_space<semaphore_mem>>) src(%arg10 : memref<128x64xf32, #tpu.memory_space<vmem>>) dst(%dma_wait3A_26 : memref<128x64xf32, #tpu.memory_space<hbm>>)
    %dma_wait3A_27 = arith.constant 0 : i32
    %dma_wait3A_28 = arith.constant 0 : i32
    %dma_wait3A_29 = tpu.memref_slice %arg5[%mul3A_2, %dma_wait3A_27, %dma_wait3A_28] : memref<4096x200x64xf32, #tpu.memory_space<hbm>> -> memref<128x1x64xf32, #tpu.memory_space<hbm>>
    %dma_wait3A_30 = tpu.memref_squeeze %dma_wait3A_29 : memref<128x1x64xf32, #tpu.memory_space<hbm>> -> memref<128x64xf32, #tpu.memory_space<hbm>>
    %dma_wait3A_31 = arith.constant 0 : i32
    %dma_wait3A_32 = tpu.memref_slice %arg5[%mul3A_2, %dma_wait3A_27, %dma_wait3A_31] : memref<4096x200x64xf32, #tpu.memory_space<hbm>> -> memref<128x1x64xf32, #tpu.memory_space<hbm>>
    %dma_wait3A_33 = tpu.memref_squeeze %dma_wait3A_32 : memref<128x1x64xf32, #tpu.memory_space<hbm>> -> memref<128x64xf32, #tpu.memory_space<hbm>>
    tpu.wait_dma2 semaphore(%arg19 : memref<!tpu.dma_semaphore, #tpu.memory_space<semaphore_mem>>) src(%arg11 : memref<128x64xf32, #tpu.memory_space<vmem>>) dst(%dma_wait3A_33 : memref<128x64xf32, #tpu.memory_space<hbm>>)
    return
  }
}

</mosaic_0001>

<sc_bundles>
// kernel: kernel.3.cloned.1.call-start
scs
__scs_entry_jumppad:
0x0: {  	(pc) =	sbr.rel $0x88, $3  }
0x1: {  	(tag) =	ssettag $0x0;
	lr =	simm.s32 $0x1  }
0x2: {  	[smem:$0x3F9F] =	sst lr;
	_ =	strace $0xD0000000  }
0x3: {  	_ = 	snop  }
0x4: {  	_ = 	snop  }
0x5: {  	_ = 	snop  }
0x6: {  	_ = 	snop  }
0x7: {  	_ = 	snop  }
__scs_overlays_trampoline_lowered:
0x8: {  	[smem:$0x3FAE] =	sst s0  }
0x9: {  	[smem:$0x3FAF] =	sst s1  }
0xa: {  	[smem:$0x3FB0] =	sst s2  }
0xb: {  	[smem:$0x3FB1] =	sst s3  }
0xc: {  	[smem:$0x3FB2] =	sst s4  }
0xd: {  	[smem:$0x3FB3] =	sst s5  }
0xe: {  	[smem:$0x3FB4] =	sst s6  }
0xf: {  	[smem:$0x3FB5] =	sst s7  }
0x10: {  	[smem:$0x3FB6] =	sst s8  }
0x11: {  	[smem:$0x3FB7] =	sst s9;
	s0 =	simm.s32 @!p0 $0x0  }
0x12: {  	s1 =	sld [smem:$0x3F9D];
	s0 =	simm.s32 @p0 $0x1  }
0x13: {  	[smem:$0x3FB8] =	sst s0;
	s0 =	simm.s32 @!p1 $0x0  }
0x14: {  	s2 =	sld [smem:$0x3F9C];
	s0 =	simm.s32 @p1 $0x1  }
0x15: {  	[smem:$0x3FB9] =	sst s0;
	s0 =	simm.s32 @!p2 $0x0  }
0x16: {  	s3 =	sld [smem:$0x3FDB];
	s0 =	simm.s32 @p2 $0x1  }
0x17: {  	s4 =	simm.s32 $0x1BF5;
	[smem:$0x3FBB] =	sst s0  }
0x18: {  	s0 =	sld [smem:$0x3F9E];
	_ =	swait.ge [sflag:s4], $0x0  }
0x19: {  	s7 =	sld [smem:$0x3F9F]  }
0x1a: {  	s8 =	sadd.s32 $0xFFFFE003, lr  }
0x1b: {  	s9 =	sadd.s32 $0xFFFFFEF7, lr;
	s5 =	simm.s32 $0xFFFFFFFF;
	p2 =	slt.u32 s8, $0xFFFFF086  }
0x1c: {  	p1 =	slt.u32 s9, $0xF7A;
	s5 =	simm.s32 @!p2 $0x0  }
0x1d: {  	s5 =	simm.s32 @p1 $0x1;
	p0 =	seq.s32 s7, s2  }
0x1e: {  	s7 =	smul.u32 @!p0 $0xF7A, s2;
	p2 =	seq.s32 @!p0 s5, $0x0  }
0x1f: {  	s9 =	smul.u32 $0xF7A, s1;
	s8 =	simm.s32 @!p0 $0x1BF5;
	p2 =	por !p2, p0  }
0x20: {  	[sflag:s8] =	ssyncset.s32 @!p0 $0xFFFFF086;
	s6 =	sadd.s32 @!p0 s3, s7;
	s7 =	simm.s32 @!p0 $0x108  }
0x21: {  	s3 =	sadd.s32 s3, s9;
	s6 =	sadd.s32 @!p0 $0x88, s6;
	s7 =	simm.s32 @p2 $0x1082  }
0x22: {  	[simem:s7], [sflag:s8] =	dma.local @!p0 [hbm:s6], $0xF7A  }
0x23: {  	s9 =	sor.u32 $0xD0000000, s2;
	s6 =	simm.s32 $0x108;
	_ =	swait.ge @!p0 [sflag:s8], $0x0  }
0x24: {  	s3 =	sadd.s32 $0x88, s3;
	s6 =	simm.s32 @!p1 $0x1082;
	[sflag:s4] =	ssyncset.s32 $0xFFFFF086  }
0x25: {  	[simem:s6], [sflag:s4] =	dma.local [hbm:s3], $0xF7A  }
0x26: {  	[smem:$0x3F9F] =	sst s1;
	(tag) =	ssettag s2;
	_ =	strace s9  }
0x27: {  	s1 =	sld [smem:$0x3FAF]  }
0x28: {  	s2 =	sld [smem:$0x3FB0]  }
0x29: {  	s4 =	sld [smem:$0x3FB2]  }
0x2a: {  	p0 =	seq.s32 s5, $0x0;
	s5 =	sld [smem:$0x3FB3]  }
0x2b: {  	s6 =	sld [smem:$0x3FB4]  }
0x2c: {  	s7 =	sld [smem:$0x3FB5]  }
0x2d: {  	s3 =	simm.s32 $0x108;
	s8 =	sld [smem:$0x3FB6]  }
0x2e: {  	s3 =	simm.s32 @!p0 $0x1082;
	s9 =	sld [smem:$0x3FB7]  }
0x2f: {  	lr =	sadd.s32 s0, s3;
	s0 =	sld [smem:$0x3FAE]  }
0x30: {  	s3 =	sld [smem:$0x3FB1]  }
0x31: {  	[smem:$0x3FBA] =	sst s10  }
0x32: {  	s10 =	sld [smem:$0x3FB8];
	_ =	sdelay $0x3  }
0x33: {  	p0 =	seq.s32 s10, $0x1;
	s10 =	sld [smem:$0x3FBA];
	_ =	sdelay $0x3  }
0x34: {  	[smem:$0x3FBA] =	sst s10  }
0x35: {  	s10 =	sld [smem:$0x3FB9];
	_ =	sdelay $0x3  }
0x36: {  	p1 =	seq.s32 s10, $0x1;
	s10 =	sld [smem:$0x3FBA];
	_ =	sdelay $0x3  }
0x37: {  	[smem:$0x3FBA] =	sst s10  }
0x38: {  	s10 =	sld [smem:$0x3FBB]  }
0x39: {  	_ = 	snop;
	(pc) =	sbr.ind lr, $3  }
0x3a: {  	_ = 	snop  }
0x3b: {  	_ = 	snop  }
0x3c: {  	p2 =	seq.s32 s10, $0x1;
	s10 =	sld [smem:$0x3FBA]  }
0x3d: {  	_ =	shalt  }
0x3e: {  	_ =	shalt  }
0x3f: {  	_ =	shalt  }
0x40: {  	_ =	shalt  }
0x41: {  	_ =	shalt  }
0x42: {  	_ =	shalt  }
0x43: {  	_ =	shalt  }
0x44: {  	_ =	shalt  }
0x45: {  	_ =	shalt  }
0x46: {  	_ =	shalt  }
0x47: {  	_ =	shalt  }
0x48: {  	_ =	shalt  }
0x49: {  	_ =	shalt  }
0x4a: {  	_ =	shalt  }
0x4b: {  	_ =	shalt  }
0x4c: {  	_ =	shalt  }
0x4d: {  	_ =	shalt  }
0x4e: {  	_ =	shalt  }
0x4f: {  	_ =	shalt  }
0x50: {  	_ =	shalt  }
0x51: {  	_ =	shalt  }
0x52: {  	_ =	shalt  }
0x53: {  	_ =	shalt  }
0x54: {  	_ =	shalt  }
0x55: {  	_ =	shalt  }
0x56: {  	_ =	shalt  }
0x57: {  	_ =	shalt  }
0x58: {  	_ =	shalt  }
0x59: {  	_ =	shalt  }
0x5a: {  	_ =	shalt  }
0x5b: {  	_ =	shalt  }
0x5c: {  	_ =	shalt  }
0x5d: {  	_ =	shalt  }
0x5e: {  	_ =	shalt  }
0x5f: {  	_ =	shalt  }
0x60: {  	_ =	shalt  }
0x61: {  	_ =	shalt  }
0x62: {  	_ =	shalt  }
0x63: {  	_ =	shalt  }
0x64: {  	_ =	shalt  }
0x65: {  	_ =	shalt  }
0x66: {  	_ =	shalt  }
0x67: {  	_ =	shalt  }
0x68: {  	_ =	shalt  }
0x69: {  	_ =	shalt  }
0x6a: {  	_ =	shalt  }
0x6b: {  	_ =	shalt  }
0x6c: {  	_ =	shalt  }
0x6d: {  	_ =	shalt  }
0x6e: {  	_ =	shalt  }
0x6f: {  	_ =	shalt  }
0x70: {  	_ =	shalt  }
0x71: {  	_ =	shalt  }
0x72: {  	_ =	shalt  }
0x73: {  	_ =	shalt  }
0x74: {  	_ =	shalt  }
0x75: {  	_ =	shalt  }
0x76: {  	_ =	shalt  }
0x77: {  	_ =	shalt  }
0x78: {  	_ =	shalt  }
0x79: {  	_ =	shalt  }
0x7a: {  	_ =	shalt  }
0x7b: {  	_ =	shalt  }
0x7c: {  	_ =	shalt  }
0x7d: {  	_ =	shalt  }
0x7e: {  	_ =	shalt  }
0x7f: {  	_ =	shalt  }
0x80: {  	_ =	shalt  }
0x81: {  	_ =	shalt  }
0x82: {  	_ =	shalt  }
0x83: {  	_ =	shalt  }
0x84: {  	_ =	shalt  }
0x85: {  	_ =	shalt  }
0x86: {  	_ =	shalt  }
0x87: {  	_ =	shalt  }
.Lfunc_end0:
.L_simem_size_0:
called_computation.1_lowered:
.L_overlay_start_0:
0x88: {  	s2 =	sld [smem:$0x3FD9]  }
0x89: {  	s3 =	sld [smem:$0x3FFE];
	_ =	sdelay $0x1  }
0x8a: {  	s1 =	srdreg.scid  }
0x8b: {  	s0 =	sand.u32 $0x1, s1  }
0x8c: {  	s17 =	sshll.u32 s0, $0xA;
	s2 =	sadd.s32 s3, s2  }
0x8d: {  	s2 =	sadd.s32 s2, s17  }
0x8e: {  	[smem:$0x3FC6] =	sst s2  }
0x8f: {  	_ = 	snop  }
0x90: {  	s2 =	sld [smem:$0x3FC9]  }
0x91: {  	s18 =	sld [smem:$0x3FD0];
	(tm) =	ssettm $0x1  }
0x92: {  	s4 =	sld [smem:$0x3FFB];
	_ =	sdelay $0x3  }
0x93: {  	_ =	strace s4  }
0x94: {  	s4 =	sld [smem:$0x3FFC];
	_ =	sdelay $0x3  }
0x95: {  	_ =	strace s4  }
0x96: {  	s4 =	sld [smem:$0x3FFD];
	_ =	sdelay $0x3  }
0x97: {  	_ =	strace s4  }
0x98: {  	_ =	strace $0x8FFFFFFF  }
0x99: {  	s19 =	sld [smem:$0x3FDB];
	_ =	sdelay $0x1  }
0x9a: {  	s5 =	simm.s32 $_scs_section_size  }
0x9b: {  	s6 =	simm.s32 $_size__tile_overlayer_lowered;
	s7 =	simm.s32 $_tile_overlayer_lowered  }
0x9c: {  	s22 =	simm.s32 $0x1BFF;
	s21 =	sshll.u32 s7, $0x1;
	s4 =	sadd.s32 s5, s19  }
0x9d: {  	s8 =	simm.s32 $0x0;
	s20 =	sshll.u32 s6, $0x1;
	s6 =	sadd.s32 s21, s4  }
0x9e: {  	[timem:s8], [sflag:s22] =	dma.local [hbm:s6], s20  }
0x9f: {  	_ =	swait.ge [sflag:s22], s20  }
0xa0: {  	s5 =	ssub.s32 $0x0, s20;
	[sflag:s22] =	ssyncset.done $0x0  }
0xa1: {  	[sflag:s22] =	ssyncadd.s32 s5;
	_ =	sdelay $0x1  }
0xa2: {  	s23 =	simm.s32 $0x1B8B  }
0xa3: {  	_ =	swait.ge [sflag:s23], $0x1  }
0xa4: {  	[sflag:s23] =	ssyncset.done $0x0  }
0xa5: {  	s25 =	simm.s32 $0x1B8E;
	s24 =	sld [smem:$0x3FFE];
	[sflag:s23] =	ssyncadd.s32 $0xFFFFFFFF  }
0xa6: {  	s26 =	simm.s32 $execute0_lowered;
	[smem:$0x3FD2] =	sst s25  }
0xa7: {  	s6 =	sshll.u32 s26, $0x1;
	_ =	strace $0x80000046;
	[dreg:$0x1] =	wrdreg $0xFFFFFFFF  }
0xa8: {  	s28 =	simm.s32 $_size_execute0_lowered;
	s4 =	sadd.s32 s4, s6;
	[dreg:$0x0] =	wrdreg $0x0  }
0xa9: {  	s6 =	sshll.u32 s28, $0x1;
	[dreg:$0x2] =	wrdreg s4  }
0xaa: {  	[dreg:$0x3] =	wrdreg s6  }
0xab: {  	[dreg:$0x4] =	wrdreg $0xC0  }
0xac: {  	_ =	task [dreg:s8], $0x5FFFF  }
0xad: {  	[dreg:$0x1] =	wrdreg $0xFFFFFFFF  }
0xae: {  	[dreg:$0x0] =	wrdreg $0x60  }
0xaf: {  	[dreg:$0x2] =	wrdreg s2  }
0xb0: {  	[dreg:$0x3] =	wrdreg s24  }
0xb1: {  	[dreg:$0x4] =	wrdreg s18  }
0xb2: {  	[dreg:$0x5] =	wrdreg $0x9  }
0xb3: {  	_ =	task.clear_ibuf [dreg:s8], $0x6FFFF;
	_ =	strace $0x90000046  }
0xb4: {  	s29 =	simm.s32 $0x9;
	_ =	strace $0x80000048  }
0xb5: {  	_ =	swait.ge [sflag:s29], $0x1  }
0xb6: {  	[sflag:s29] =	ssyncadd.s32 $0xFFFFFFFF  }
0xb7: {  	_ =	strace $0x90000048  }
0xb8: {  	_ =	sfence  }
0xb9: {  	s30 =	sld [smem:$0x0];
	_ =	sdelay $0x2  }
0xba: {  	s31 =	sshll.u32 s1, $0xD;
	s1 =	sshrl.u32 s1, $0x2  }
0xbb: {  	s3 =	sand.u32 $0x4000, s31;
	s1 =	sadd.s32 s1, s30  }
0xbc: {  	s0 =	sor.u32 s3, s0;
	s1 =	sshll.u32 s1, $0x11  }
0xbd: {  	s0 =	sor.u32 s1, s0  }
0xbe: {  	s0 =	sadd.s32 $0x8F2B, s0  }
0xbf: {  	[sflag:s0] =	ssyncadd.remote.s32 $0x1  }
0xc0: {  	_ =	sfence.sel $0xFFFF  }
0xc1: {  	[dreg:$0x0] =	wrdreg $0xFFFFFFFF;
	(pc) =	sbr.abs _section_cstart, $3  }
0xc2: {  	[dreg:$0x1] =	wrdreg $0xFFFFFFFF  }
0xc3: {  	_ =	task.clear_ibuf [dreg:s8], $0x2FFFF;
	_ =	strace $0x9FFFFFFF  }
0xc4: {  	(tm) =	ssettm $0x7FFFFFFF  }
0xc5: {  	_ =	shalt  }
tec
execute0_lowered:
.L_overlay_start_1:
0x0: {  	(tag) =	ssettag $0x1  }
0x1: {  	s0 =	rddreg [dreg:$0x0]  }
0x2: {  	s2 =	rddreg [dreg:$0x1]  }
0x3: {  	s1 =	rddreg [dreg:$0x2];
	s3 =	simm.s32 $0x0  }
0x4: {  	s4 =	srdreg.scid;
	s30 =	stileid.u32;
	s11 =	simm.s32 $0x9  }
0x5: {  	s13 =	simm.s32 $0x80;
	s14 =	simm.s32 $0xF600;
	s15 =	simm.s32 $0x1  }
0x6: {  	s16 =	simm.s32 $0x40;
	s17 =	simm.s32 $0x3200;
	s18 =	simm.s32 $0x9600  }
0x7: {  	s19 =	simm.s32 $0x2;
	s20 =	simm.s32 $0xB600;
	s21 =	simm.s32 $0x3  }
0x8: {  	s22 =	simm.s32 $0xD600;
	s23 =	simm.s32 $0x4;
	s24 =	simm.s32 $0x5  }
0x9: {  	s25 =	simm.s32 $0x6;
	s26 =	simm.s32 $0x7;
	s28 =	simm.s32 $0x8  }
0xa: {  	s29 =	simm.s32 $0x0;
	[smem:$0x7FF] =	sst s3;
	s5 =	sand.u32 $0x1, s4  }
0xb: {  	s6 =	sshll.u32 s30, $0x1;
	s4 =	sadd.s32 $0xF42C00, s2;
	s7 =	ssub.s32 $0x2, s5  }
0xc: {  	_ =	strace $0x80000047;
	s8 =	sor.u32 s5, s6;
	s31 =	sshrl.u32 s7, $0x1  }
0xd: {  	s5 =	sadd.s32 $0x400, s2;
	s6 =	sshll.u32 s8, $0x7;
	s2 =	ssub.s32 s7, s31  }
0xe: {  	s6 =	sadd.s32 s0, s6;
	s7 =	smul.u32 $0x190000, s8;
	s8 =	smax.u32 s2, $0x1  }
.LBB2_1:
0xf: {  	s0 =	simm.s32 $0x0;
	s2 =	simm.s32 $0x400;
	s3 =	simm.s32 $0x8000  }
0x10: {  	[tilespmem:s0], [sflag:$0x9] =	stream.strided.gather [hbm4b:s6+s2], $0x6400, s3, s2, $0x38;
	[tilespmem:$0x11600] =	vst v63  }
0x11: {  	_ =	swait.ge [sflag:s11], $0x6400  }
0x12: {  	[sflag:s11] =	ssyncset.done $0x0  }
0x13: {  	s31 =	simm.s32 $0x6400;
	[sflag:s11] =	ssyncadd.s32 $0xFFFF9C00  }
0x14: {  	[tilespmem:s31], [sflag:$0x9] =	stream.linear.gather [hbm4b:s5+s0], $0x3200, $0x38;
	[tilespmem:$0x11600] =	vst v63  }
0x15: {  	_ =	swait.ge [sflag:s11], $0x3200  }
0x16: {  	[sflag:s11] =	ssyncset.done $0x0  }
0x17: {  	s30 =	simm.s32 $0x0;
	[sflag:s11] =	ssyncadd.s32 $0xFFFFCE00  }
.LBB2_2:
0x18: {  	p0 =	sne.s32 s30, $0x0  }
0x19: {  	s0 =	simm.s32 @p0 $0x5  }
0x1a: {  	s2 =	sshll.u32 @p0 s30, $0x2;
	_ =	swait.ge @p0 [sflag:s0], $0x2000  }
0x1b: {  	s9 =	sshll.u32 @p0 s30, $0x9;
	s10 =	simm.s32 @p0 $0x80;
	[sflag:s0] =	ssyncset.done @p0 $0x0  }
0x1c: {  	s12 =	simm.s32 @p0 $0x9600;
	[sflag:s0] =	ssyncadd.s32 @p0 $0xFFFFE000;
	s0 =	sand.u32 @p0 $0x7E00, s9  }
0x1d: {  	[tilespmem:s12], [sflag:$0x1] =	stream.indirect.gather @p0 [hbm4b:s4+s10], $0x40, s0, s10, $0xb8;
	[tilespmem:$0x11600] =	vst v63  }
0x1e: {  	s0 =	sor.u32 @p0 $0x1, s2;
	s12 =	simm.s32 @p0 $0x6  }
0x1f: {  	_ =	swait.ge @p0 [sflag:s12], $0x2000;
	s31 =	sshll.u32 @p0 s0, $0x7  }
0x20: {  	s9 =	sand.u32 @p0 $0x7C00, s9;
	[sflag:s12] =	ssyncset.done @p0 $0x0;
	s31 =	sand.u32 @p0 $0x280, s31  }
0x21: {  	[sflag:s12] =	ssyncadd.s32 @p0 $0xFFFFE000;
	s12 =	sor.u32 @p0 s31, s9;
	s31 =	simm.s32 @p0 $0xB600  }
0x22: {  	[tilespmem:s31], [sflag:$0x2] =	stream.indirect.gather @p0 [hbm4b:s4+s10], $0x40, s12, s10, $0xb8;
	[tilespmem:$0x11600] =	vst v63  }
0x23: {  	s12 =	sor.u32 @p0 $0x2, s2;
	s2 =	simm.s32 @p0 $0x7  }
0x24: {  	_ =	swait.ge @p0 [sflag:s2], $0x2000;
	s31 =	sshll.u32 @p0 s12, $0x7  }
0x25: {  	[sflag:s2] =	ssyncset.done @p0 $0x0;
	s31 =	sand.u32 @p0 $0x300, s31  }
0x26: {  	[sflag:s2] =	ssyncadd.s32 @p0 $0xFFFFE000;
	s2 =	sor.u32 @p0 s31, s9;
	s31 =	simm.s32 @p0 $0xD600  }
0x27: {  	[tilespmem:s31], [sflag:$0x3] =	stream.indirect.gather @p0 [hbm4b:s4+s10], $0x40, s2, s10, $0xb8;
	[tilespmem:$0x11600] =	vst v63  }
0x28: {  	s2 =	simm.s32 @p0 $0x8  }
0x29: {  	_ =	swait.ge @p0 [sflag:s2], $0x2000  }
0x2a: {  	s10 =	simm.s32 @!p0 $0x0;
	[sflag:s2] =	ssyncset.done @p0 $0x0  }
0x2b: {  	s31 =	simm.s32 @!p0 $0x9600;
	[sflag:s2] =	ssyncadd.s32 @p0 $0xFFFFE000;
	s2 =	simm.s32 @!p0 $0x80  }
0x2c: {  	[tilespmem:s31], [sflag:$0x1] =	stream.indirect.gather @!p0 [hbm4b:s4+s2], $0x40, s10, s2, $0xb8;
	[tilespmem:$0x11600] =	vst v63  }
0x2d: {  	s10 =	simm.s32 @!p0 $0xB600;
	s31 =	sshllo.u32 @p0 s30, $0x2  }
0x2e: {  	[tilespmem:s10], [sflag:$0x2] =	stream.indirect.gather @!p0 [hbm4b:s4+s2], $0x40, s2, s2, $0xb8;
	[tilespmem:$0x11600] =	vst v63  }
0x2f: {  	s3 =	simm.s32 @!p0 $0xD600;
	s31 =	simm.s32 @!p0 $0x3;
	s10 =	simm.s32 @!p0 $0x100  }
0x30: {  	[tilespmem:s3], [sflag:$0x3] =	stream.indirect.gather @!p0 [hbm4b:s4+s2], $0x40, s10, s2, $0xb8;
	[tilespmem:$0x11600] =	vst v63  }
0x31: {  	s10 =	sshll.u32 s31, $0x7  }
0x32: {  	s9 =	simm.s32 @!p0 $0x0;
	s2 =	sand.u32 $0x380, s10  }
0x33: {  	s2 =	sadd.s32 s2, s9  }
0x34: {  	[tilespmem:s14], [sflag:$0x4] =	stream.indirect.gather [hbm4b:s4+s13], $0x40, s2, s13, $0xb8;
	[tilespmem:$0x11600] =	vst v63  }
0x35: {  	_ =	swait.ge [sflag:s15], $0x2000  }
0x36: {  	[sflag:s15] =	ssyncset.done $0x0  }
0x37: {  	s9 =	sshll.u32 s30, $0x8;
	[sflag:s15] =	ssyncadd.s32 $0xFFFFE000  }
0x38: {  	v1 =	vld [tilespmem:s9+$0x6400]  }
0x39: {  	v2 =	vld [tilespmem:s9+$0x6430]  }
0x3a: {  	v3 =	vld [tilespmem:s9+$0x6420]  }
0x3b: {  	v0 =	vld [tilespmem:s9+$0x6410]  }
0x3c: {  	s10 =	simm.s32 $0x9600  }
0x3d: {  	[tilespmem:s10+$0x0] =	vst.add.f32.msk $0xffff, v1  }
0x3e: {  	[tilespmem:s10+$0x1F0] =	vst.add.f32.msk $0xffff, v2  }
0x3f: {  	[tilespmem:s10+$0x1E0] =	vst.add.f32.msk $0xffff, v3  }
0x40: {  	[tilespmem:s10+$0x1D0] =	vst.add.f32.msk $0xffff, v0  }
0x41: {  	[tilespmem:s10+$0x1C0] =	vst.add.f32.msk $0xffff, v1  }
0x42: {  	[tilespmem:s10+$0x1B0] =	vst.add.f32.msk $0xffff, v2  }
0x43: {  	[tilespmem:s10+$0x1A0] =	vst.add.f32.msk $0xffff, v3  }
0x44: {  	[tilespmem:s10+$0x190] =	vst.add.f32.msk $0xffff, v0  }
0x45: {  	[tilespmem:s10+$0x180] =	vst.add.f32.msk $0xffff, v1  }
0x46: {  	[tilespmem:s10+$0x170] =	vst.add.f32.msk $0xffff, v2  }
0x47: {  	[tilespmem:s10+$0x160] =	vst.add.f32.msk $0xffff, v3  }
0x48: {  	[tilespmem:s10+$0x150] =	vst.add.f32.msk $0xffff, v0  }
0x49: {  	[tilespmem:s10+$0x140] =	vst.add.f32.msk $0xffff, v1  }
0x4a: {  	[tilespmem:s10+$0x130] =	vst.add.f32.msk $0xffff, v2  }
0x4b: {  	[tilespmem:s10+$0x120] =	vst.add.f32.msk $0xffff, v3  }
0x4c: {  	[tilespmem:s10+$0x110] =	vst.add.f32.msk $0xffff, v0  }
0x4d: {  	[tilespmem:s10+$0x100] =	vst.add.f32.msk $0xffff, v1  }
0x4e: {  	[tilespmem:s10+$0xF0] =	vst.add.f32.msk $0xffff, v2  }
0x4f: {  	[tilespmem:s10+$0xE0] =	vst.add.f32.msk $0xffff, v3  }
0x50: {  	[tilespmem:s10+$0xD0] =	vst.add.f32.msk $0xffff, v0  }
0x51: {  	[tilespmem:s10+$0xC0] =	vst.add.f32.msk $0xffff, v1  }
0x52: {  	[tilespmem:s10+$0xB0] =	vst.add.f32.msk $0xffff, v2  }
0x53: {  	[tilespmem:s10+$0xA0] =	vst.add.f32.msk $0xffff, v3  }
0x54: {  	[tilespmem:s10+$0x90] =	vst.add.f32.msk $0xffff, v0  }
0x55: {  	[tilespmem:s10+$0x80] =	vst.add.f32.msk $0xffff, v1  }
0x56: {  	[tilespmem:s10+$0x70] =	vst.add.f32.msk $0xffff, v2  }
0x57: {  	[tilespmem:s10+$0x60] =	vst.add.f32.msk $0xffff, v3  }
0x58: {  	[tilespmem:s10+$0x50] =	vst.add.f32.msk $0xffff, v0  }
0x59: {  	[tilespmem:s10+$0x40] =	vst.add.f32.msk $0xffff, v1  }
0x5a: {  	s2 =	sshll.u32 @p0 s0, $0x6;
	s0 =	sshll.u32 @p0 s12, $0x6;
	[tilespmem:s10+$0x30] =	vst.add.f32.msk $0xffff, v2  }
0x5b: {  	s12 =	simm.s32 $0x0;
	s2 =	simm.s32 @!p0 $0x40;
	s0 =	simm.s32 @!p0 $0x80;
	[tilespmem:s10+$0x20] =	vst.add.f32.msk $0xffff, v3  }
.LBB2_3:
0x5c: {  	s12 =	sadd.s32 $0x8, s12;
	[tilespmem:s10+$0x10] =	vst.add.f32.msk $0xffff, v0;
	s10 =	sadd.s32 $0x200, s10  }
0x5d: {  	[tilespmem:s10+$0x0] =	vst.add.f32.msk $0xffff, v1;
	p0 =	slt.u32 s12, $0x78  }
0x5e: {  	[tilespmem:s10+$0x1F0] =	vst.add.f32.msk $0xffff, v2  }
0x5f: {  	[tilespmem:s10+$0x1E0] =	vst.add.f32.msk $0xffff, v3  }
0x60: {  	[tilespmem:s10+$0x1D0] =	vst.add.f32.msk $0xffff, v0  }
0x61: {  	[tilespmem:s10+$0x1C0] =	vst.add.f32.msk $0xffff, v1  }
0x62: {  	[tilespmem:s10+$0x1B0] =	vst.add.f32.msk $0xffff, v2  }
0x63: {  	[tilespmem:s10+$0x1A0] =	vst.add.f32.msk $0xffff, v3  }
0x64: {  	[tilespmem:s10+$0x190] =	vst.add.f32.msk $0xffff, v0  }
0x65: {  	[tilespmem:s10+$0x180] =	vst.add.f32.msk $0xffff, v1  }
0x66: {  	[tilespmem:s10+$0x170] =	vst.add.f32.msk $0xffff, v2  }
0x67: {  	[tilespmem:s10+$0x160] =	vst.add.f32.msk $0xffff, v3  }
0x68: {  	[tilespmem:s10+$0x150] =	vst.add.f32.msk $0xffff, v0  }
0x69: {  	[tilespmem:s10+$0x140] =	vst.add.f32.msk $0xffff, v1  }
0x6a: {  	[tilespmem:s10+$0x130] =	vst.add.f32.msk $0xffff, v2  }
0x6b: {  	[tilespmem:s10+$0x120] =	vst.add.f32.msk $0xffff, v3  }
0x6c: {  	[tilespmem:s10+$0x110] =	vst.add.f32.msk $0xffff, v0  }
0x6d: {  	[tilespmem:s10+$0x100] =	vst.add.f32.msk $0xffff, v1  }
0x6e: {  	[tilespmem:s10+$0xF0] =	vst.add.f32.msk $0xffff, v2  }
0x6f: {  	[tilespmem:s10+$0xE0] =	vst.add.f32.msk $0xffff, v3  }
0x70: {  	[tilespmem:s10+$0xD0] =	vst.add.f32.msk $0xffff, v0  }
0x71: {  	[tilespmem:s10+$0xC0] =	vst.add.f32.msk $0xffff, v1  }
0x72: {  	[tilespmem:s10+$0xB0] =	vst.add.f32.msk $0xffff, v2  }
0x73: {  	[tilespmem:s10+$0xA0] =	vst.add.f32.msk $0xffff, v3  }
0x74: {  	[tilespmem:s10+$0x90] =	vst.add.f32.msk $0xffff, v0  }
0x75: {  	[tilespmem:s10+$0x80] =	vst.add.f32.msk $0xffff, v1  }
0x76: {  	[tilespmem:s10+$0x70] =	vst.add.f32.msk $0xffff, v2  }
.Ltmp0:
0x77: {  	[tilespmem:s10+$0x60] =	vst.add.f32.msk $0xffff, v3;
	(pc) =	sbr.rel @p0 .LBB2_3-.Ltmp0, $4  }
0x78: {  	[tilespmem:s10+$0x50] =	vst.add.f32.msk $0xffff, v0  }
0x79: {  	[tilespmem:s10+$0x40] =	vst.add.f32.msk $0xffff, v1  }
0x7a: {  	[tilespmem:s10+$0x30] =	vst.add.f32.msk $0xffff, v2  }
0x7b: {  	[tilespmem:s10+$0x20] =	vst.add.f32.msk $0xffff, v3  }
0x7c: {  	s3 =	sor.u32 s7, s9  }
0x7d: {  	s3 =	sshrl.u32 s3, $0x3  }
0x7e: {  	[tilespmem:s10+$0x10] =	vst.add.f32.msk $0xffff, v0;
	s3 =	sadd.s32 s1, s3  }
0x7f: {  	[hbm4b:s3+s16] =	stream.strided.scatter [tilespmem:s18], [sflag:$0x5], $0x2000, s17, s16, $0x38;
	[tilespmem:$0x11600] =	vst v63  }
0x80: {  	_ =	swait.ge [sflag:s19], $0x2000  }
0x81: {  	[sflag:s19] =	ssyncset.done $0x0  }
0x82: {  	[sflag:s19] =	ssyncadd.s32 $0xFFFFE000  }
0x83: {  	v1 =	vld [tilespmem:s2+$0x6400]  }
0x84: {  	v2 =	vld [tilespmem:s2+$0x6430]  }
0x85: {  	v3 =	vld [tilespmem:s2+$0x6420]  }
0x86: {  	v0 =	vld [tilespmem:s2+$0x6410]  }
0x87: {  	s9 =	simm.s32 $0xB600  }
0x88: {  	[tilespmem:s9+$0x0] =	vst.add.f32.msk $0xffff, v1  }
0x89: {  	[tilespmem:s9+$0x1F0] =	vst.add.f32.msk $0xffff, v2  }
0x8a: {  	[tilespmem:s9+$0x1E0] =	vst.add.f32.msk $0xffff, v3  }
0x8b: {  	[tilespmem:s9+$0x1D0] =	vst.add.f32.msk $0xffff, v0  }
0x8c: {  	[tilespmem:s9+$0x1C0] =	vst.add.f32.msk $0xffff, v1  }
0x8d: {  	[tilespmem:s9+$0x1B0] =	vst.add.f32.msk $0xffff, v2  }
0x8e: {  	[tilespmem:s9+$0x1A0] =	vst.add.f32.msk $0xffff, v3  }
0x8f: {  	[tilespmem:s9+$0x190] =	vst.add.f32.msk $0xffff, v0  }
0x90: {  	[tilespmem:s9+$0x180] =	vst.add.f32.msk $0xffff, v1  }
0x91: {  	[tilespmem:s9+$0x170] =	vst.add.f32.msk $0xffff, v2  }
0x92: {  	[tilespmem:s9+$0x160] =	vst.add.f32.msk $0xffff, v3  }
0x93: {  	[tilespmem:s9+$0x150] =	vst.add.f32.msk $0xffff, v0  }
0x94: {  	[tilespmem:s9+$0x140] =	vst.add.f32.msk $0xffff, v1  }
0x95: {  	[tilespmem:s9+$0x130] =	vst.add.f32.msk $0xffff, v2  }
0x96: {  	[tilespmem:s9+$0x120] =	vst.add.f32.msk $0xffff, v3  }
0x97: {  	[tilespmem:s9+$0x110] =	vst.add.f32.msk $0xffff, v0  }
0x98: {  	[tilespmem:s9+$0x100] =	vst.add.f32.msk $0xffff, v1  }
0x99: {  	[tilespmem:s9+$0xF0] =	vst.add.f32.msk $0xffff, v2  }
0x9a: {  	[tilespmem:s9+$0xE0] =	vst.add.f32.msk $0xffff, v3  }
0x9b: {  	[tilespmem:s9+$0xD0] =	vst.add.f32.msk $0xffff, v0  }
0x9c: {  	[tilespmem:s9+$0xC0] =	vst.add.f32.msk $0xffff, v1  }
0x9d: {  	[tilespmem:s9+$0xB0] =	vst.add.f32.msk $0xffff, v2  }
0x9e: {  	[tilespmem:s9+$0xA0] =	vst.add.f32.msk $0xffff, v3  }
0x9f: {  	[tilespmem:s9+$0x90] =	vst.add.f32.msk $0xffff, v0  }
0xa0: {  	[tilespmem:s9+$0x80] =	vst.add.f32.msk $0xffff, v1  }
0xa1: {  	[tilespmem:s9+$0x70] =	vst.add.f32.msk $0xffff, v2  }
0xa2: {  	[tilespmem:s9+$0x60] =	vst.add.f32.msk $0xffff, v3  }
0xa3: {  	[tilespmem:s9+$0x50] =	vst.add.f32.msk $0xffff, v0  }
0xa4: {  	[tilespmem:s9+$0x40] =	vst.add.f32.msk $0xffff, v1  }
0xa5: {  	[tilespmem:s9+$0x30] =	vst.add.f32.msk $0xffff, v2  }
0xa6: {  	s10 =	simm.s32 $0x0;
	[tilespmem:s9+$0x20] =	vst.add.f32.msk $0xffff, v3  }
.LBB2_5:
0xa7: {  	s10 =	sadd.s32 $0x8, s10;
	[tilespmem:s9+$0x10] =	vst.add.f32.msk $0xffff, v0;
	s9 =	sadd.s32 $0x200, s9  }
0xa8: {  	[tilespmem:s9+$0x0] =	vst.add.f32.msk $0xffff, v1;
	p0 =	slt.u32 s10, $0x78  }
0xa9: {  	[tilespmem:s9+$0x1F0] =	vst.add.f32.msk $0xffff, v2  }
0xaa: {  	[tilespmem:s9+$0x1E0] =	vst.add.f32.msk $0xffff, v3  }
0xab: {  	[tilespmem:s9+$0x1D0] =	vst.add.f32.msk $0xffff, v0  }
0xac: {  	[tilespmem:s9+$0x1C0] =	vst.add.f32.msk $0xffff, v1  }
0xad: {  	[tilespmem:s9+$0x1B0] =	vst.add.f32.msk $0xffff, v2  }
0xae: {  	[tilespmem:s9+$0x1A0] =	vst.add.f32.msk $0xffff, v3  }
0xaf: {  	[tilespmem:s9+$0x190] =	vst.add.f32.msk $0xffff, v0  }
0xb0: {  	[tilespmem:s9+$0x180] =	vst.add.f32.msk $0xffff, v1  }
0xb1: {  	[tilespmem:s9+$0x170] =	vst.add.f32.msk $0xffff, v2  }
0xb2: {  	[tilespmem:s9+$0x160] =	vst.add.f32.msk $0xffff, v3  }
0xb3: {  	[tilespmem:s9+$0x150] =	vst.add.f32.msk $0xffff, v0  }
0xb4: {  	[tilespmem:s9+$0x140] =	vst.add.f32.msk $0xffff, v1  }
0xb5: {  	[tilespmem:s9+$0x130] =	vst.add.f32.msk $0xffff, v2  }
0xb6: {  	[tilespmem:s9+$0x120] =	vst.add.f32.msk $0xffff, v3  }
0xb7: {  	[tilespmem:s9+$0x110] =	vst.add.f32.msk $0xffff, v0  }
0xb8: {  	[tilespmem:s9+$0x100] =	vst.add.f32.msk $0xffff, v1  }
0xb9: {  	[tilespmem:s9+$0xF0] =	vst.add.f32.msk $0xffff, v2  }
0xba: {  	[tilespmem:s9+$0xE0] =	vst.add.f32.msk $0xffff, v3  }
0xbb: {  	[tilespmem:s9+$0xD0] =	vst.add.f32.msk $0xffff, v0  }
0xbc: {  	[tilespmem:s9+$0xC0] =	vst.add.f32.msk $0xffff, v1  }
0xbd: {  	[tilespmem:s9+$0xB0] =	vst.add.f32.msk $0xffff, v2  }
0xbe: {  	[tilespmem:s9+$0xA0] =	vst.add.f32.msk $0xffff, v3  }
0xbf: {  	[tilespmem:s9+$0x90] =	vst.add.f32.msk $0xffff, v0  }
0xc0: {  	[tilespmem:s9+$0x80] =	vst.add.f32.msk $0xffff, v1  }
0xc1: {  	[tilespmem:s9+$0x70] =	vst.add.f32.msk $0xffff, v2  }
.Ltmp1:
0xc2: {  	[tilespmem:s9+$0x60] =	vst.add.f32.msk $0xffff, v3;
	(pc) =	sbr.rel @p0 .LBB2_5-.Ltmp1, $4  }
0xc3: {  	[tilespmem:s9+$0x50] =	vst.add.f32.msk $0xffff, v0  }
0xc4: {  	[tilespmem:s9+$0x40] =	vst.add.f32.msk $0xffff, v1  }
0xc5: {  	[tilespmem:s9+$0x30] =	vst.add.f32.msk $0xffff, v2  }
0xc6: {  	[tilespmem:s9+$0x20] =	vst.add.f32.msk $0xffff, v3  }
0xc7: {  	s2 =	sor.u32 s7, s2  }
0xc8: {  	s2 =	sshrl.u32 s2, $0x3  }
0xc9: {  	[tilespmem:s9+$0x10] =	vst.add.f32.msk $0xffff, v0;
	s2 =	sadd.s32 s1, s2  }
0xca: {  	[hbm4b:s2+s16] =	stream.strided.scatter [tilespmem:s20], [sflag:$0x6], $0x2000, s17, s16, $0x38;
	[tilespmem:$0x11600] =	vst v63  }
0xcb: {  	_ =	swait.ge [sflag:s21], $0x2000  }
0xcc: {  	[sflag:s21] =	ssyncset.done $0x0  }
0xcd: {  	[sflag:s21] =	ssyncadd.s32 $0xFFFFE000  }
0xce: {  	v1 =	vld [tilespmem:s0+$0x6400]  }
0xcf: {  	v2 =	vld [tilespmem:s0+$0x6430]  }
0xd0: {  	v3 =	vld [tilespmem:s0+$0x6420]  }
0xd1: {  	v0 =	vld [tilespmem:s0+$0x6410]  }
0xd2: {  	s2 =	simm.s32 $0xD600  }
0xd3: {  	[tilespmem:s2+$0x0] =	vst.add.f32.msk $0xffff, v1  }
0xd4: {  	[tilespmem:s2+$0x1F0] =	vst.add.f32.msk $0xffff, v2  }
0xd5: {  	[tilespmem:s2+$0x1E0] =	vst.add.f32.msk $0xffff, v3  }
0xd6: {  	[tilespmem:s2+$0x1D0] =	vst.add.f32.msk $0xffff, v0  }
0xd7: {  	[tilespmem:s2+$0x1C0] =	vst.add.f32.msk $0xffff, v1  }
0xd8: {  	[tilespmem:s2+$0x1B0] =	vst.add.f32.msk $0xffff, v2  }
0xd9: {  	[tilespmem:s2+$0x1A0] =	vst.add.f32.msk $0xffff, v3  }
0xda: {  	[tilespmem:s2+$0x190] =	vst.add.f32.msk $0xffff, v0  }
0xdb: {  	[tilespmem:s2+$0x180] =	vst.add.f32.msk $0xffff, v1  }
0xdc: {  	[tilespmem:s2+$0x170] =	vst.add.f32.msk $0xffff, v2  }
0xdd: {  	[tilespmem:s2+$0x160] =	vst.add.f32.msk $0xffff, v3  }
0xde: {  	[tilespmem:s2+$0x150] =	vst.add.f32.msk $0xffff, v0  }
0xdf: {  	[tilespmem:s2+$0x140] =	vst.add.f32.msk $0xffff, v1  }
0xe0: {  	[tilespmem:s2+$0x130] =	vst.add.f32.msk $0xffff, v2  }
0xe1: {  	[tilespmem:s2+$0x120] =	vst.add.f32.msk $0xffff, v3  }
0xe2: {  	[tilespmem:s2+$0x110] =	vst.add.f32.msk $0xffff, v0  }
0xe3: {  	[tilespmem:s2+$0x100] =	vst.add.f32.msk $0xffff, v1  }
0xe4: {  	[tilespmem:s2+$0xF0] =	vst.add.f32.msk $0xffff, v2  }
0xe5: {  	[tilespmem:s2+$0xE0] =	vst.add.f32.msk $0xffff, v3  }
0xe6: {  	[tilespmem:s2+$0xD0] =	vst.add.f32.msk $0xffff, v0  }
0xe7: {  	[tilespmem:s2+$0xC0] =	vst.add.f32.msk $0xffff, v1  }
0xe8: {  	[tilespmem:s2+$0xB0] =	vst.add.f32.msk $0xffff, v2  }
0xe9: {  	[tilespmem:s2+$0xA0] =	vst.add.f32.msk $0xffff, v3  }
0xea: {  	[tilespmem:s2+$0x90] =	vst.add.f32.msk $0xffff, v0  }
0xeb: {  	[tilespmem:s2+$0x80] =	vst.add.f32.msk $0xffff, v1  }
0xec: {  	[tilespmem:s2+$0x70] =	vst.add.f32.msk $0xffff, v2  }
0xed: {  	[tilespmem:s2+$0x60] =	vst.add.f32.msk $0xffff, v3  }
0xee: {  	[tilespmem:s2+$0x50] =	vst.add.f32.msk $0xffff, v0  }
0xef: {  	[tilespmem:s2+$0x40] =	vst.add.f32.msk $0xffff, v1  }
0xf0: {  	[tilespmem:s2+$0x30] =	vst.add.f32.msk $0xffff, v2  }
0xf1: {  	s9 =	simm.s32 $0x0;
	[tilespmem:s2+$0x20] =	vst.add.f32.msk $0xffff, v3  }
.LBB2_7:
0xf2: {  	s9 =	sadd.s32 $0x8, s9;
	[tilespmem:s2+$0x10] =	vst.add.f32.msk $0xffff, v0;
	s2 =	sadd.s32 $0x200, s2  }
0xf3: {  	[tilespmem:s2+$0x0] =	vst.add.f32.msk $0xffff, v1;
	p0 =	slt.u32 s9, $0x78  }
0xf4: {  	[tilespmem:s2+$0x1F0] =	vst.add.f32.msk $0xffff, v2  }
0xf5: {  	[tilespmem:s2+$0x1E0] =	vst.add.f32.msk $0xffff, v3  }
0xf6: {  	[tilespmem:s2+$0x1D0] =	vst.add.f32.msk $0xffff, v0  }
0xf7: {  	[tilespmem:s2+$0x1C0] =	vst.add.f32.msk $0xffff, v1  }
0xf8: {  	[tilespmem:s2+$0x1B0] =	vst.add.f32.msk $0xffff, v2  }
0xf9: {  	[tilespmem:s2+$0x1A0] =	vst.add.f32.msk $0xffff, v3  }
0xfa: {  	[tilespmem:s2+$0x190] =	vst.add.f32.msk $0xffff, v0  }
0xfb: {  	[tilespmem:s2+$0x180] =	vst.add.f32.msk $0xffff, v1  }
0xfc: {  	[tilespmem:s2+$0x170] =	vst.add.f32.msk $0xffff, v2  }
0xfd: {  	[tilespmem:s2+$0x160] =	vst.add.f32.msk $0xffff, v3  }
0xfe: {  	[tilespmem:s2+$0x150] =	vst.add.f32.msk $0xffff, v0  }
0xff: {  	[tilespmem:s2+$0x140] =	vst.add.f32.msk $0xffff, v1  }
0x100: {  	[tilespmem:s2+$0x130] =	vst.add.f32.msk $0xffff, v2  }
0x101: {  	[tilespmem:s2+$0x120] =	vst.add.f32.msk $0xffff, v3  }
0x102: {  	[tilespmem:s2+$0x110] =	vst.add.f32.msk $0xffff, v0  }
0x103: {  	[tilespmem:s2+$0x100] =	vst.add.f32.msk $0xffff, v1  }
0x104: {  	[tilespmem:s2+$0xF0] =	vst.add.f32.msk $0xffff, v2  }
0x105: {  	[tilespmem:s2+$0xE0] =	vst.add.f32.msk $0xffff, v3  }
0x106: {  	[tilespmem:s2+$0xD0] =	vst.add.f32.msk $0xffff, v0  }
0x107: {  	[tilespmem:s2+$0xC0] =	vst.add.f32.msk $0xffff, v1  }
0x108: {  	[tilespmem:s2+$0xB0] =	vst.add.f32.msk $0xffff, v2  }
0x109: {  	[tilespmem:s2+$0xA0] =	vst.add.f32.msk $0xffff, v3  }
0x10a: {  	[tilespmem:s2+$0x90] =	vst.add.f32.msk $0xffff, v0  }
0x10b: {  	[tilespmem:s2+$0x80] =	vst.add.f32.msk $0xffff, v1  }
0x10c: {  	[tilespmem:s2+$0x70] =	vst.add.f32.msk $0xffff, v2  }
.Ltmp2:
0x10d: {  	[tilespmem:s2+$0x60] =	vst.add.f32.msk $0xffff, v3;
	(pc) =	sbr.rel @p0 .LBB2_7-.Ltmp2, $4  }
0x10e: {  	[tilespmem:s2+$0x50] =	vst.add.f32.msk $0xffff, v0  }
0x10f: {  	[tilespmem:s2+$0x40] =	vst.add.f32.msk $0xffff, v1  }
0x110: {  	[tilespmem:s2+$0x30] =	vst.add.f32.msk $0xffff, v2  }
0x111: {  	[tilespmem:s2+$0x20] =	vst.add.f32.msk $0xffff, v3  }
0x112: {  	s0 =	sor.u32 s7, s0  }
0x113: {  	s0 =	sshrl.u32 s0, $0x3  }
0x114: {  	[tilespmem:s2+$0x10] =	vst.add.f32.msk $0xffff, v0;
	s0 =	sadd.s32 s1, s0  }
0x115: {  	[hbm4b:s0+s16] =	stream.strided.scatter [tilespmem:s22], [sflag:$0x7], $0x2000, s17, s16, $0x38;
	[tilespmem:$0x11600] =	vst v63  }
0x116: {  	_ =	swait.ge [sflag:s23], $0x2000  }
0x117: {  	[sflag:s23] =	ssyncset.done $0x0  }
0x118: {  	s0 =	sshll.u32 s31, $0x6;
	[sflag:s23] =	ssyncadd.s32 $0xFFFFE000  }
0x119: {  	v1 =	vld [tilespmem:s0+$0x6400]  }
0x11a: {  	v2 =	vld [tilespmem:s0+$0x6430]  }
0x11b: {  	v3 =	vld [tilespmem:s0+$0x6420]  }
0x11c: {  	v0 =	vld [tilespmem:s0+$0x6410]  }
0x11d: {  	s2 =	simm.s32 $0xF600  }
0x11e: {  	[tilespmem:s2+$0x0] =	vst.add.f32.msk $0xffff, v1  }
0x11f: {  	[tilespmem:s2+$0x1F0] =	vst.add.f32.msk $0xffff, v2  }
0x120: {  	[tilespmem:s2+$0x1E0] =	vst.add.f32.msk $0xffff, v3  }
0x121: {  	[tilespmem:s2+$0x1D0] =	vst.add.f32.msk $0xffff, v0  }
0x122: {  	[tilespmem:s2+$0x1C0] =	vst.add.f32.msk $0xffff, v1  }
0x123: {  	[tilespmem:s2+$0x1B0] =	vst.add.f32.msk $0xffff, v2  }
0x124: {  	[tilespmem:s2+$0x1A0] =	vst.add.f32.msk $0xffff, v3  }
0x125: {  	[tilespmem:s2+$0x190] =	vst.add.f32.msk $0xffff, v0  }
0x126: {  	[tilespmem:s2+$0x180] =	vst.add.f32.msk $0xffff, v1  }
0x127: {  	[tilespmem:s2+$0x170] =	vst.add.f32.msk $0xffff, v2  }
0x128: {  	[tilespmem:s2+$0x160] =	vst.add.f32.msk $0xffff, v3  }
0x129: {  	[tilespmem:s2+$0x150] =	vst.add.f32.msk $0xffff, v0  }
0x12a: {  	[tilespmem:s2+$0x140] =	vst.add.f32.msk $0xffff, v1  }
0x12b: {  	[tilespmem:s2+$0x130] =	vst.add.f32.msk $0xffff, v2  }
0x12c: {  	[tilespmem:s2+$0x120] =	vst.add.f32.msk $0xffff, v3  }
0x12d: {  	[tilespmem:s2+$0x110] =	vst.add.f32.msk $0xffff, v0  }
0x12e: {  	[tilespmem:s2+$0x100] =	vst.add.f32.msk $0xffff, v1  }
0x12f: {  	[tilespmem:s2+$0xF0] =	vst.add.f32.msk $0xffff, v2  }
0x130: {  	[tilespmem:s2+$0xE0] =	vst.add.f32.msk $0xffff, v3  }
0x131: {  	[tilespmem:s2+$0xD0] =	vst.add.f32.msk $0xffff, v0  }
0x132: {  	[tilespmem:s2+$0xC0] =	vst.add.f32.msk $0xffff, v1  }
0x133: {  	[tilespmem:s2+$0xB0] =	vst.add.f32.msk $0xffff, v2  }
0x134: {  	[tilespmem:s2+$0xA0] =	vst.add.f32.msk $0xffff, v3  }
0x135: {  	[tilespmem:s2+$0x90] =	vst.add.f32.msk $0xffff, v0  }
0x136: {  	[tilespmem:s2+$0x80] =	vst.add.f32.msk $0xffff, v1  }
0x137: {  	[tilespmem:s2+$0x70] =	vst.add.f32.msk $0xffff, v2  }
0x138: {  	[tilespmem:s2+$0x60] =	vst.add.f32.msk $0xffff, v3  }
0x139: {  	[tilespmem:s2+$0x50] =	vst.add.f32.msk $0xffff, v0  }
0x13a: {  	[tilespmem:s2+$0x40] =	vst.add.f32.msk $0xffff, v1  }
0x13b: {  	[tilespmem:s2+$0x30] =	vst.add.f32.msk $0xffff, v2  }
0x13c: {  	s9 =	simm.s32 $0x0;
	[tilespmem:s2+$0x20] =	vst.add.f32.msk $0xffff, v3  }
.LBB2_9:
0x13d: {  	s9 =	sadd.s32 $0x8, s9;
	[tilespmem:s2+$0x10] =	vst.add.f32.msk $0xffff, v0;
	s2 =	sadd.s32 $0x200, s2  }
0x13e: {  	[tilespmem:s2+$0x0] =	vst.add.f32.msk $0xffff, v1;
	p0 =	slt.u32 s9, $0x78  }
0x13f: {  	[tilespmem:s2+$0x1F0] =	vst.add.f32.msk $0xffff, v2  }
0x140: {  	[tilespmem:s2+$0x1E0] =	vst.add.f32.msk $0xffff, v3  }
0x141: {  	[tilespmem:s2+$0x1D0] =	vst.add.f32.msk $0xffff, v0  }
0x142: {  	[tilespmem:s2+$0x1C0] =	vst.add.f32.msk $0xffff, v1  }
0x143: {  	[tilespmem:s2+$0x1B0] =	vst.add.f32.msk $0xffff, v2  }
0x144: {  	[tilespmem:s2+$0x1A0] =	vst.add.f32.msk $0xffff, v3  }
0x145: {  	[tilespmem:s2+$0x190] =	vst.add.f32.msk $0xffff, v0  }
0x146: {  	[tilespmem:s2+$0x180] =	vst.add.f32.msk $0xffff, v1  }
0x147: {  	[tilespmem:s2+$0x170] =	vst.add.f32.msk $0xffff, v2  }
0x148: {  	[tilespmem:s2+$0x160] =	vst.add.f32.msk $0xffff, v3  }
0x149: {  	[tilespmem:s2+$0x150] =	vst.add.f32.msk $0xffff, v0  }
0x14a: {  	[tilespmem:s2+$0x140] =	vst.add.f32.msk $0xffff, v1  }
0x14b: {  	[tilespmem:s2+$0x130] =	vst.add.f32.msk $0xffff, v2  }
0x14c: {  	[tilespmem:s2+$0x120] =	vst.add.f32.msk $0xffff, v3  }
0x14d: {  	[tilespmem:s2+$0x110] =	vst.add.f32.msk $0xffff, v0  }
0x14e: {  	[tilespmem:s2+$0x100] =	vst.add.f32.msk $0xffff, v1  }
0x14f: {  	[tilespmem:s2+$0xF0] =	vst.add.f32.msk $0xffff, v2  }
0x150: {  	[tilespmem:s2+$0xE0] =	vst.add.f32.msk $0xffff, v3  }
0x151: {  	[tilespmem:s2+$0xD0] =	vst.add.f32.msk $0xffff, v0  }
0x152: {  	[tilespmem:s2+$0xC0] =	vst.add.f32.msk $0xffff, v1  }
0x153: {  	[tilespmem:s2+$0xB0] =	vst.add.f32.msk $0xffff, v2  }
0x154: {  	[tilespmem:s2+$0xA0] =	vst.add.f32.msk $0xffff, v3  }
0x155: {  	[tilespmem:s2+$0x90] =	vst.add.f32.msk $0xffff, v0  }
0x156: {  	[tilespmem:s2+$0x80] =	vst.add.f32.msk $0xffff, v1  }
0x157: {  	[tilespmem:s2+$0x70] =	vst.add.f32.msk $0xffff, v2  }
.Ltmp3:
0x158: {  	[tilespmem:s2+$0x60] =	vst.add.f32.msk $0xffff, v3;
	(pc) =	sbr.rel @p0 .LBB2_9-.Ltmp3, $4  }
0x159: {  	[tilespmem:s2+$0x50] =	vst.add.f32.msk $0xffff, v0  }
0x15a: {  	[tilespmem:s2+$0x40] =	vst.add.f32.msk $0xffff, v1  }
0x15b: {  	[tilespmem:s2+$0x30] =	vst.add.f32.msk $0xffff, v2  }
0x15c: {  	[tilespmem:s2+$0x20] =	vst.add.f32.msk $0xffff, v3  }
0x15d: {  	s30 =	sadd.s32 $0x1, s30  }
0x15e: {  	p0 =	sne.s32 s30, $0x32  }
.Ltmp4:
0x15f: {  	_ = 	snop;
	(pc) =	sbr.rel @p0 .LBB2_2-.Ltmp4, $4  }
0x160: {  	s0 =	sor.u32 s7, s0  }
0x161: {  	s0 =	sshrl.u32 s0, $0x3  }
0x162: {  	[tilespmem:s2+$0x10] =	vst.add.f32.msk $0xffff, v0;
	s0 =	sadd.s32 s1, s0  }
0x163: {  	[hbm4b:s0+s16] =	stream.strided.scatter [tilespmem:s14], [sflag:$0x8], $0x2000, s17, s16, $0x38;
	[tilespmem:$0x11600] =	vst v63  }
0x164: {  	_ =	swait.ge [sflag:s24], $0x2000  }
0x165: {  	[sflag:s24] =	ssyncset.done $0x0  }
0x166: {  	[sflag:s24] =	ssyncadd.s32 $0xFFFFE000  }
0x167: {  	_ =	swait.ge [sflag:s25], $0x2000  }
0x168: {  	[sflag:s25] =	ssyncset.done $0x0  }
0x169: {  	s29 =	sadd.s32 $0x1, s29;
	[sflag:s25] =	ssyncadd.s32 $0xFFFFE000  }
0x16a: {  	p0 =	sne.s32 s29, s8;
	_ =	swait.ge [sflag:s26], $0x2000  }
.Ltmp5:
0x16b: {  	[sflag:s26] =	ssyncset.done $0x0;
	(pc) =	sbr.rel @p0 .LBB2_1-.Ltmp5, $4  }
0x16c: {  	[sflag:s26] =	ssyncadd.s32 $0xFFFFE000  }
0x16d: {  	_ =	swait.ge [sflag:s28], $0x2000  }
0x16e: {  	[sflag:s28] =	ssyncset.done $0x0  }
0x16f: {  	[sflag:s28] =	ssyncadd.s32 $0xFFFFE000  }
0x170: {  	_ =	sfence.sel $0x180000  }
0x171: {  	[bflag:$0x0] =	sbarrier.arrive $0xFFFF  }
0x172: {  	_ =	strace $0x90000047  }
0x173: {  	s0 =	stileid.u32;
	[bflag:$0x2] =	sbarrier.arrive $0xFFFF  }
0x174: {  	p0 =	sne.s32 s0, $0x0;
	s0 =	rddreg [dreg:$0x3]  }
0x175: {  	s0 =	sadd.s32 @!p0 $0x100000, s0  }
0x176: {  	[sflag:s0] =	ssyncadd.tile.s32 @!p0 $0x1;
	_ =	shalt  }
.Lfunc_end2:
_tile_overlayer_lowered:
.L_overlay_start_2:
0x177: {  	(tag) =	ssettag $0x2  }
0x178: {  	s0 =	rddreg [dreg:$0x0];
	s2 =	stileid.u32  }
0x179: {  	s1 =	rddreg [dreg:$0x1];
	p0 =	sne.s32 s2, $0x0  }
0x17a: {  	s3 =	rddreg [dreg:$0x2];
	[bflag:$0x3] =	sbarrier.arrive $0xFFFF;
	s2 =	simm.s32 @!p0 $0x1C09  }
0x17b: {  	[timem:s3], [sflag:s2] =	dma.local @!p0 [hbm:s0], s1  }
0x17c: {  	s0 =	simm.s32 @!p0 $0x9  }
0x17d: {  	_ =	swait.ge @!p0 [sflag:s0], s1  }
0x17e: {  	s1 =	ssub.s32 @!p0 $0x0, s1;
	[sflag:s0] =	ssyncset.done @!p0 $0x0  }
0x17f: {  	[sflag:s0] =	ssyncadd.s32 @!p0 s1  }
0x180: {  	[bflag:$0x3] =	sbarrier.arrive $0xFFFF  }
0x181: {  	_ =	shalt  }

// kernel: sparse-core-data-format-call.cloned.1.call-start
scs
called_computation_lowered:
.L_overlay_start_0:
0x0: {  	s2 =	sld [smem:$0x3FD9]  }
0x1: {  	s3 =	sld [smem:$0x3FFE];
	_ =	sdelay $0x1  }
0x2: {  	s1 =	srdreg.scid  }
0x3: {  	s0 =	sand.u32 $0x1, s1  }
0x4: {  	s18 =	sshll.u32 s0, $0xA;
	s2 =	sadd.s32 s3, s2  }
0x5: {  	s2 =	sadd.s32 s2, s18  }
0x6: {  	[smem:$0x3FC6] =	sst s2  }
0x7: {  	_ = 	snop  }
0x8: {  	s2 =	sld [smem:$0x3FD0];
	(tm) =	ssettm $0x1  }
0x9: {  	s19 =	sld [smem:$0x3FFB];
	_ =	sdelay $0x3  }
0xa: {  	_ =	strace s19  }
0xb: {  	s3 =	sld [smem:$0x3FFC];
	_ =	sdelay $0x3  }
0xc: {  	_ =	strace s3  }
0xd: {  	s3 =	sld [smem:$0x3FFD];
	_ =	sdelay $0x3  }
0xe: {  	_ =	strace s3  }
0xf: {  	_ =	strace $0x8FFFFFFF  }
0x10: {  	s20 =	sld [smem:$0x3FDB];
	_ =	sdelay $0x1  }
0x11: {  	s4 =	simm.s32 $_scs_section_size  }
0x12: {  	s5 =	simm.s32 $_size__tile_overlayer_lowered;
	s6 =	simm.s32 $_tile_overlayer_lowered  }
0x13: {  	s23 =	simm.s32 $0x1BFF;
	s22 =	sshll.u32 s6, $0x1;
	s3 =	sadd.s32 s4, s20  }
0x14: {  	s7 =	simm.s32 $0x0;
	s21 =	sshll.u32 s5, $0x1;
	s5 =	sadd.s32 s22, s3  }
0x15: {  	[timem:s7], [sflag:s23] =	dma.local [hbm:s5], s21  }
0x16: {  	_ =	swait.ge [sflag:s23], s21  }
0x17: {  	s4 =	ssub.s32 $0x0, s21;
	[sflag:s23] =	ssyncset.done $0x0  }
0x18: {  	[sflag:s23] =	ssyncadd.s32 s4;
	_ =	sdelay $0x1  }
0x19: {  	s24 =	simm.s32 $0x1B8B  }
0x1a: {  	_ =	swait.ge [sflag:s24], $0x1  }
0x1b: {  	[sflag:s24] =	ssyncset.done $0x0  }
0x1c: {  	s26 =	simm.s32 $0x1B8E;
	s25 =	sld [smem:$0x3FFE];
	[sflag:s24] =	ssyncadd.s32 $0xFFFFFFFF  }
0x1d: {  	s27 =	simm.s32 $execute0_lowered;
	[smem:$0x3FD2] =	sst s26  }
0x1e: {  	s5 =	sshll.u32 s27, $0x1;
	_ =	strace $0x80000049;
	[dreg:$0x1] =	wrdreg $0xFFFFFFFF  }
0x1f: {  	s28 =	simm.s32 $_size_execute0_lowered;
	s3 =	sadd.s32 s3, s5;
	[dreg:$0x0] =	wrdreg $0x0  }
0x20: {  	s5 =	sshll.u32 s28, $0x1;
	[dreg:$0x2] =	wrdreg s3  }
0x21: {  	[dreg:$0x3] =	wrdreg s5  }
0x22: {  	[dreg:$0x4] =	wrdreg $0xC0  }
0x23: {  	_ =	task [dreg:s7], $0x5FFFF  }
0x24: {  	[dreg:$0x1] =	wrdreg $0xFFFFFFFF  }
0x25: {  	[dreg:$0x0] =	wrdreg $0x60  }
0x26: {  	[dreg:$0x2] =	wrdreg s25  }
0x27: {  	[dreg:$0x3] =	wrdreg s2  }
0x28: {  	[dreg:$0x4] =	wrdreg $0x9  }
0x29: {  	_ =	task.clear_ibuf [dreg:s7], $0x5FFFF;
	_ =	strace $0x90000049  }
0x2a: {  	s29 =	simm.s32 $0x9;
	_ =	strace $0x8000004B  }
0x2b: {  	_ =	swait.ge [sflag:s29], $0x1  }
0x2c: {  	[sflag:s29] =	ssyncadd.s32 $0xFFFFFFFF  }
0x2d: {  	_ =	strace $0x9000004B  }
0x2e: {  	_ =	sfence  }
0x2f: {  	s30 =	sld [smem:$0x0];
	_ =	sdelay $0x2  }
0x30: {  	s31 =	sshll.u32 s1, $0xD;
	s1 =	sshrl.u32 s1, $0x2  }
0x31: {  	s3 =	sand.u32 $0x4000, s31;
	s1 =	sadd.s32 s1, s30  }
0x32: {  	s0 =	sor.u32 s3, s0;
	s1 =	sshll.u32 s1, $0x11  }
0x33: {  	s0 =	sor.u32 s1, s0  }
0x34: {  	s0 =	sadd.s32 $0x8F2B, s0  }
0x35: {  	[sflag:s0] =	ssyncadd.remote.s32 $0x1  }
0x36: {  	_ =	sfence.sel $0xFFFF  }
0x37: {  	[dreg:$0x0] =	wrdreg $0xFFFFFFFF;
	(pc) =	sbr.abs _section_cstart, $3  }
0x38: {  	[dreg:$0x1] =	wrdreg $0xFFFFFFFF  }
0x39: {  	_ =	task.clear_ibuf [dreg:s7], $0x2FFFF;
	_ =	strace $0x9FFFFFFF  }
0x3a: {  	(tm) =	ssettm $0x7FFFFFFF  }
0x3b: {  	_ =	shalt  }
tec
execute0_lowered:
.L_overlay_start_1:
0x0: {  	(tag) =	ssettag $0x1  }
0x1: {  	s0 =	srdreg.scid  }
0x2: {  	s1 =	sshll.u32 s0, $0x4  }
0x3: {  	s0 =	stileid.u32;
	s1 =	sand.u32 $0x10, s1  }
0x4: {  	s1 =	sor.u32 s0, s1  }
0x5: {  	s6 =	rddreg [dreg:$0x0];
	s4 =	simm.s32 $0x1;
	s2 =	sshll.u32 s1, $0x7  }
0x6: {  	s7 =	simm.s32 $0x2;
	s12 =	simm.s32 $0x0;
	s1 =	ssub.s32 $0x1000, s2  }
0x7: {  	s8 =	simm.s32 $0x8000;
	s13 =	simm.s32 $0x0;
	s3 =	sand.u32 $0xF80, s1  }
0x8: {  	s9 =	simm.s32 $0x0;
	s5 =	sshrl.u32 s1, $0xC;
	p0 =	sne.s32 s3, $0x0  }
.Ltmp0:
0x9: {  	s1 =	rddreg [dreg:$0x2];
	s4 =	simm.s32 @!p0 $0x0;
	(pc) =	sbr.rel .LBB1_1-.Ltmp0, $4  }
0xa: {  	s11 =	simm.s32 $0x0;
	s3 =	rddreg [dreg:$0x1];
	s5 =	sadd.s32 s4, s5  }
0xb: {  	_ =	strace $0x8000004A;
	s4 =	simm.s32 $0x1;
	s5 =	smul.u32 $0xC8, s5  }
0xc: {  	s6 =	sadd.s32 $0x400, s6;
	s10 =	smov.u32 s2;
	[sflag:s4] =	ssyncpa.u1 $0x0  }
0xd: {  	p0 =	por $0x0, $0x0;
	[sflag:s7] =	ssyncpa.u1 $0x0;
	s7 =	sor.u32 $0x1, s5  }
.LBB1_4:
0xe: {  	s16 =	sshll.u32 s13, $0x3;
	s17 =	sand.u32 $0x78, s13  }
0xf: {  	s30 =	sand.u32 $0x7E00, s13;
	s12 =	sshll.u32 s12, $0xF;
	s16 =	sand.u32 $0xC00, s16  }
0x10: {  	[tilespmem:s15+$0x810 ss:$0x81] =	vst.msk $0xffff, v2;
	s31 =	sand.u32 $0x7, s13;
	s16 =	sor.u32 s17, s16;
	s17 =	sadd.s32 s3, s30  }
0x11: {  	[tilespmem:s15+$0x1020 ss:$0x81] =	vst.msk $0xffff, v0;
	s13 =	sshll.u32 s31, $0x12;
	s12 =	sadd.s32 s12, s17;
	s16 =	sshrl.u32 s16, $0x3  }
0x12: {  	[tilespmem:s15+$0x0 ss:$0x81] =	vst.msk $0xffff, v1;
	s13 =	sor.u32 $0x400, s13;
	s12 =	sadd.s32 s16, s12  }
0x13: {  	[hbm4b:s12+s13] =	stream.strided.scatter [tilespmem:s14], [sflag:$0x2], $0x2000, s8, s13, $0x20;
	[tilespmem:$0x8080] =	vst v63  }
.LBB1_5:
0x14: {  	s14 =	sadd.s32 $0x1, s9  }
0x15: {  	s12 =	sadd.s32 $0x1000, s10;
	s16 =	smov.u32 s10;
	p2 =	sgt.s32 s14, $0xC7  }
0x16: {  	s16 =	smov.u32 @p2 s12  }
0x17: {  	s14 =	simm.s32 @p2 $0x0;
	p2 =	sgt.s32 s16, $0xFFF  }
0x18: {  	s16 =	smov.u32 @p2 s2;
	p2 =	sne.s32 s11, s7  }
.Ltmp1:
0x19: {  	p1 =	slt.u32 s11, $0x2;
	(pc) =	sbr.rel @!p2 .LBB1_6-.Ltmp1, $4  }
0x1a: {  	s15 =	simm.s32 @!p1 $0x2  }
0x1b: {  	s13 =	smov.u32 s10;
	p0 =	por !p0, !p0;
	_ =	swait.ge @!p1 [sflag:s15], $0x2000  }
0x1c: {  	s12 =	smov.u32 s9;
	[sflag:s15] =	ssyncset.done @!p1 $0x0;
	s9 =	smov.u32 s14  }
0x1d: {  	s11 =	sadd.s32 $0x1, s11;
	[sflag:s15] =	ssyncadd.s32 @!p1 $0xFFFFE000;
	s10 =	smov.u32 s16  }
.LBB1_1:
0x1e: {  	p1 =	sge.u32 s11, s5  }
0x1f: {  	s14 =	sand.u32 @!p1 $0x1FFFFFF, s9  }
0x20: {  	s15 =	smulhi.u32 @!p1 $0x147AE15, s14;
	_ =	sdelay $0x1  }
0x21: {  	s15 =	smul.u32 @!p1 $0xC8, s15  }
0x22: {  	s16 =	sxor.u32 @!p1 $0xFFFFFFFF, s11;
	s17 =	smul.u32 @!p1 $0xC80, s10  }
0x23: {  	s31 =	sadd.s32 $0xFFFFFFFF, s11;
	s16 =	sshll.u32 @!p1 s16, $0xD;
	s14 =	ssub.s32 @!p1 s14, s15  }
0x24: {  	s15 =	sand.u32 @!p1 $0x2000, s16;
	s16 =	sadd.s32 @!p1 s6, s17;
	s14 =	sshll.u32 @!p1 s14, $0x4  }
0x25: {  	s17 =	simm.s32 @!p1 $0x6400;
	s14 =	sadd.s32 @!p1 s14, s16;
	s16 =	simm.s32 @!p1 $0x40  }
0x26: {  	[tilespmem:s15], [sflag:$0x1] =	stream.strided.gather @!p1 [hbm4b:s14+s16], $0x2000, s17, s16, $0x38;
	[tilespmem:$0x8080] =	vst v63  }
0x27: {  	p1 =	sge.u32 s31, s5  }
.Ltmp2:
0x28: {  	_ = 	snop;
	(pc) =	sbr.rel @p1 .LBB1_5-.Ltmp2, $1  }
0x29: {  	_ =	sdelay $0x3  }
0x2a: {  	s14 =	simm.s32 $0x1  }
0x2b: {  	_ =	swait.ge [sflag:s4], $0x2000;
	s14 =	simm.s32 @!p0 $0x0  }
0x2c: {  	[sflag:s4] =	ssyncset.done $0x0;
	s15 =	sshll.u32 s14, $0xD  }
0x2d: {  	[sflag:s4] =	ssyncadd.s32 $0xFFFFE000;
	s18 =	sor.u32 $0x20, s15  }
0x2e: {  	s14 =	smul.u32 $0x8100, s14;
	v3 =	vld [tilespmem:s18+$0x10]  }
0x2f: {  	s30 =	sand.u32 $0x1, s11;
	v2 =	vld [tilespmem:s18+$0xFFFFFFF0]  }
0x30: {  	s15 =	smul.u32 $0x8100, s30;
	s14 =	sshrl.u32 s14, $0x2;
	v0 =	vld [tilespmem:s18+$0x0]  }
0x31: {  	v1 =	vld [tilespmem:s18+$0xFFFFFFE0];
	s16 =	sor.u32 $0x4000, s14  }
0x32: {  	s31 =	sshrl.u32 s15, $0x2;
	s15 =	sadd.s32 $0x0, s16  }
0x33: {  	s17 =	simm.s32 $0x4;
	s18 =	sadd.s32 $0x40, s18;
	s14 =	sor.u32 $0x4000, s31;
	[tilespmem:s15+$0x1830 ss:$0x81] =	vst.msk $0xffff, v3  }
.LBB1_3:
0x34: {  	v3 =	vld [tilespmem:s18+$0x10];
	p1 =	sne.s32 s17, $0x1FC;
	[tilespmem:s15+$0x810 ss:$0x81] =	vst.msk $0xffff, v2;
	s19 =	smov.u32 s17;
	s17 =	sadd.s32 $0x4, s17  }
.Ltmp3:
0x35: {  	v2 =	vld [tilespmem:s18+$0xFFFFFFF0];
	[tilespmem:s15+$0x1020 ss:$0x81] =	vst.msk $0xffff, v0;
	(pc) =	sbr.rel @p1 .LBB1_3-.Ltmp3, $4  }
0x36: {  	v0 =	vld [tilespmem:s18+$0x0];
	[tilespmem:s15+$0x0 ss:$0x81] =	vst.msk $0xffff, v1  }
0x37: {  	s15 =	sshra.s32 s19, $0x2;
	v1 =	vld [tilespmem:s18+$0xFFFFFFE0]  }
0x38: {  	s15 =	sadd.s32 s15, s16  }
0x39: {  	s18 =	sadd.s32 $0x40, s18;
	[tilespmem:s15+$0x1830 ss:$0x81] =	vst.msk $0xffff, v3  }
.Ltmp4:
0x3a: {  	_ = 	snop;
	(pc) =	sbr.rel .LBB1_4-.Ltmp4, $1  }
0x3b: {  	_ =	sdelay $0x3  }
.LBB1_6:
0x3c: {  	_ =	sfence.sel $0x180000  }
0x3d: {  	s2 =	simm.s32 $0x1;
	[bflag:$0x0] =	sbarrier.arrive $0xFFFF  }
0x3e: {  	s31 =	simm.s32 $0x2;
	[sflag:s2] =	ssyncpa.u1 $0x1  }
0x3f: {  	[sflag:s31] =	ssyncpa.u1 $0x1  }
0x40: {  	p0 =	sne.s32 s0, $0x0;
	_ =	strace $0x9000004A  }
0x41: {  	s0 =	sadd.s32 @!p0 $0x100000, s1;
	[bflag:$0x2] =	sbarrier.arrive $0xFFFF  }
0x42: {  	[sflag:s0] =	ssyncadd.tile.s32 @!p0 $0x1;
	_ =	shalt  }
.Lfunc_end1:
_tile_overlayer_lowered:
.L_overlay_start_2:
0x43: {  	(tag) =	ssettag $0x2  }
0x44: {  	s0 =	rddreg [dreg:$0x0];
	s2 =	stileid.u32  }
0x45: {  	s1 =	rddreg [dreg:$0x1];
	p0 =	sne.s32 s2, $0x0  }
0x46: {  	s3 =	rddreg [dreg:$0x2];
	[bflag:$0x3] =	sbarrier.arrive $0xFFFF;
	s2 =	simm.s32 @!p0 $0x1C01  }
0x47: {  	[timem:s3], [sflag:s2] =	dma.local @!p0 [hbm:s0], s1  }
0x48: {  	s0 =	simm.s32 @!p0 $0x1  }
0x49: {  	_ =	swait.ge @!p0 [sflag:s0], s1  }
0x4a: {  	s1 =	ssub.s32 @!p0 $0x0, s1;
	[sflag:s0] =	ssyncset.done @!p0 $0x0  }
0x4b: {  	[sflag:s0] =	ssyncadd.s32 @!p0 s1  }
0x4c: {  	[bflag:$0x3] =	sbarrier.arrive $0xFFFF  }
0x4d: {  	_ =	shalt  }

</sc_bundles>
